<compile_context>
chip_gen: v7x
topology: tpu7x:2x2x1
jax: 0.10.2.dev20260603
libtpu: 0.0.44.dev20260713+nightly
codegen_flags: <defaults>
</compile_context>

<pallas_src>
import functools

import jax
import jax.numpy as jnp
from jax import lax
from jax.experimental import pallas as pl
from jax.experimental.pallas import tpu as pltpu
from jax.experimental.pallas import tpu_sc as plsc

H = 16
N = 257
NREL = 964
B = 32
TABW = NREL * H
NW = 32
RPW = 8
NV = 16


def _gather_rows(tab_v, idx_v, outb_v, r):
    def body(c, carry):
        cs = c * 16
        addr = idx_v[r, pl.ds(cs, 16)] * H
        for h in range(H):
            outb_v[h, r, pl.ds(cs, 16)] = plsc.load_gather(tab_v, [addr + h])
        return carry
    lax.fori_loop(0, NV, body, 0)
    lanes = lax.iota(jnp.int32, 16)
    rv = jnp.full((16,), r, jnp.int32)
    cv = jnp.full((16,), N - 1, jnp.int32)
    iv = plsc.load_gather(idx_v, [rv, cv])
    vals = plsc.load_gather(tab_v, [iv * H + lanes])
    plsc.store_scatter(outb_v, [lanes, rv, cv], vals)


def _sc_gather_body(tab_hbm, idx_hbm, out_hbm, tab_v, idx_v, outb_v):
    wid = lax.axis_index("s") * 2 + lax.axis_index("c")
    row0 = wid * RPW
    pltpu.sync_copy(tab_hbm, tab_v)
    pltpu.sync_copy(idx_hbm.at[pl.ds(row0, RPW), :], idx_v.at[:RPW])

    def body(r, carry):
        _gather_rows(tab_v, idx_v, outb_v, r)
        return carry
    lax.fori_loop(0, RPW, body, 0)
    pltpu.sync_copy(outb_v.at[:, :RPW], out_hbm.at[:, pl.ds(row0, RPW), :])

    @pl.when(wid == NW - 1)
    def _tail_row():
        pltpu.sync_copy(idx_hbm.at[pl.ds(N - 1, 1), :], idx_v.at[RPW:])
        _gather_rows(tab_v, idx_v, outb_v, RPW)
        pltpu.sync_copy(outb_v.at[:, RPW:], out_hbm.at[:, pl.ds(N - 1, 1), :])


_sc_gather = functools.partial(
    pl.kernel,
    out_type=jax.ShapeDtypeStruct((H, N, N), jnp.float32),
    mesh=plsc.VectorSubcoreMesh(core_axis_name="c", subcore_axis_name="s",
                                num_cores=2, num_subcores=16),
    compiler_params=pltpu.CompilerParams(needs_layout_passes=False),
    scratch_types=[
        pltpu.VMEM((TABW,), jnp.float32),
        pltpu.VMEM((RPW + 1, N), jnp.int32),
        pltpu.VMEM((H, RPW + 1, N), jnp.float32),
    ],
)(_sc_gather_body)


def kernel(attn, rel_pos_bias_table, rel_pos_index):
    tab_flat = rel_pos_bias_table.reshape(-1)
    bias3 = _sc_gather(tab_flat, rel_pos_index)
    return attn + bias3[None]

# --- scband reference (transcript-rebuilt; emitter-appended) ---
"""Pipeline reference for scband-rel-pos-bias-9972914061550 (READ-ONLY COPY).

The authoritative reference and input builder live on the scoring server;
editing this copy changes nothing except your own understanding.
"""

import jax, jax.numpy as jnp
import numpy as np

WIN = (16, 16)
NUM_HEADS = 16
PREFIX = 1
WA = WIN[0] * WIN[1]
N = WA + PREFIX
NUM_REL = (2 * WIN[0] - 1) * (2 * WIN[1] - 1) + 3 * PREFIX  # 964
BATCH = 32


def gen_relative_position_index():
    Wh, Ww = WIN
    coords = np.stack(np.meshgrid(np.arange(Wh), np.arange(Ww), indexing='ij'))  # 2, Wh, Ww
    coords_flatten = coords.reshape(2, -1)  # 2, Wh*Ww
    relative_coords = coords_flatten[:, :, None] - coords_flatten[:, None, :]  # 2, WA, WA
    relative_coords = relative_coords.transpose(1, 2, 0).astype(np.int64)  # WA, WA, 2
    relative_coords[:, :, 0] += Wh - 1
    relative_coords[:, :, 1] += Ww - 1
    relative_coords[:, :, 0] *= 2 * Ww - 1
    rel_pos_index = relative_coords.sum(-1)  # WA, WA
    nrd = (2 * Wh - 1) * (2 * Ww - 1)
    # class token handling (prefix_tokens == 1)
    rel_pos_index = np.pad(rel_pos_index, ((1, 0), (1, 0)))
    rel_pos_index[0, :] = nrd
    rel_pos_index[:, 0] = nrd + 1
    rel_pos_index[0, 0] = nrd + 2
    return jnp.asarray(rel_pos_index, dtype=jnp.int32)


def setup_inputs(seed: int = 0) -> dict:
    key = jax.random.key(seed)
    k1, k2 = jax.random.split(key)
    attn = jax.random.normal(k1, (BATCH, NUM_HEADS, N, N), dtype=jnp.float32)
    # trunc_normal_(std=0.02) approximated with scaled normal
    rel_pos_bias_table = jax.random.normal(k2, (NUM_REL, NUM_HEADS), dtype=jnp.float32) * 0.02
    rel_pos_index = gen_relative_position_index()
    return {"attn": attn, "rel_pos_bias_table": rel_pos_bias_table, "rel_pos_index": rel_pos_index}


def reference(attn, rel_pos_bias_table, rel_pos_index):
    # get_bias(): gather rows from the bias table by relative position index
    bias = jnp.take(rel_pos_bias_table, rel_pos_index.reshape(-1), axis=0)  # [N*N, H]
    bias = bias.reshape(N, N, NUM_HEADS).transpose(2, 0, 1)  # [H, N, N]
    bias = bias[None]  # [1, H, N, N]
    return attn + bias

if __name__ == "__main__":
    import jax
    _d = setup_inputs()
    print(jax.jit(kernel)(*tuple(_d.values())))

</pallas_src>

<mosaic_0001>
#map = affine_map<(d0, d1) -> (0)>
#map1 = affine_map<(d0, d1) -> (0, 0)>
#map2 = affine_map<(d0, d1) -> (0, 0, 0)>
module attributes {stable_mosaic.version = 14 : i64} {
  func.func @_sc_gather_body(%arg0: i32, %arg1: i32, %arg2: memref<15424xf32, #tpu.memory_space<hbm>>, %arg3: memref<257x257xi32, #tpu.memory_space<hbm>>, %arg4: memref<16x257x257xf32, #tpu.memory_space<hbm>>, %arg5: memref<15424xf32, #tpu.memory_space<vmem>>, %arg6: memref<9x257xi32, #tpu.memory_space<vmem>>, %arg7: memref<16x9x257xf32, #tpu.memory_space<vmem>>) attributes {dimension_semantics = [#tpu.dimension_semantics<core_parallel>, #tpu.dimension_semantics<subcore_parallel>], iteration_bounds = array<i64: 2, 16>, scalar_prefetch = 0 : i64, scratch_operands = 3 : i64, tpu.core_type = #tpu.core_type<sc_vector_subcore>, window_params = [{transform_indices = #map}, {transform_indices = #map1}, {transform_indices = #map2}]} {
    %mul3A = arith.constant 2 : i32
    %mul3A_0 = arith.muli %arg1, %mul3A : i32
    %add3A = arith.addi %mul3A_0, %arg0 : i32
    %mul3A_1 = arith.constant 8 : i32
    %mul3A_2 = arith.muli %add3A, %mul3A_1 : i32
    "tpu.region"() ({
      %run_scoped3A = tpu.sem_alloc : memref<!tpu.dma_semaphore, #tpu.memory_space<semaphore_mem>>
      tpu.enqueue_dma source(%arg2 : memref<15424xf32, #tpu.memory_space<hbm>>) target(%arg5 : memref<15424xf32, #tpu.memory_space<vmem>>) target_semaphore(%run_scoped3A : memref<!tpu.dma_semaphore, #tpu.memory_space<semaphore_mem>>)
      tpu.wait_dma2 semaphore(%run_scoped3A : memref<!tpu.dma_semaphore, #tpu.memory_space<semaphore_mem>>) src(%arg2 : memref<15424xf32, #tpu.memory_space<hbm>>) dst(%arg5 : memref<15424xf32, #tpu.memory_space<vmem>>)
      tpu.yield
    }) : () -> ()
    "tpu.region"() ({
      %run_scoped3A = tpu.sem_alloc : memref<!tpu.dma_semaphore, #tpu.memory_space<semaphore_mem>>
      %dma_start3A = arith.constant 0 : i32
      %dma_start3A_10 = arith.constant 0 : i32
      %dma_start3A_11 = tpu.memref_slice %arg6[%dma_start3A, %dma_start3A_10] : memref<9x257xi32, #tpu.memory_space<vmem>> -> memref<8x257xi32, #tpu.memory_space<vmem>>
      %dma_start3A_12 = arith.constant 0 : i32
      %dma_start3A_13 = tpu.memref_slice %arg3[%mul3A_2, %dma_start3A_12] : memref<257x257xi32, #tpu.memory_space<hbm>> -> memref<8x257xi32, #tpu.memory_space<hbm>>
      %dma_start3A_14 = arith.constant 0 : i32
      %dma_start3A_15 = arith.constant 0 : i32
      %dma_start3A_16 = tpu.memref_slice %arg6[%dma_start3A_14, %dma_start3A_15] : memref<9x257xi32, #tpu.memory_space<vmem>> -> memref<8x257xi32, #tpu.memory_space<vmem>>
      %dma_start3A_17 = arith.constant 0 : i32
      %dma_start3A_18 = tpu.memref_slice %arg3[%mul3A_2, %dma_start3A_17] : memref<257x257xi32, #tpu.memory_space<hbm>> -> memref<8x257xi32, #tpu.memory_space<hbm>>
      tpu.enqueue_dma source(%dma_start3A_18 : memref<8x257xi32, #tpu.memory_space<hbm>>) target(%dma_start3A_16 : memref<8x257xi32, #tpu.memory_space<vmem>>) target_semaphore(%run_scoped3A : memref<!tpu.dma_semaphore, #tpu.memory_space<semaphore_mem>>)
      %dma_wait3A = arith.constant 0 : i32
      %dma_wait3A_19 = arith.constant 0 : i32
      %dma_wait3A_20 = tpu.memref_slice %arg6[%dma_wait3A, %dma_wait3A_19] : memref<9x257xi32, #tpu.memory_space<vmem>> -> memref<8x257xi32, #tpu.memory_space<vmem>>
      %dma_wait3A_21 = arith.constant 0 : i32
      %dma_wait3A_22 = tpu.memref_slice %arg3[%mul3A_2, %dma_wait3A_21] : memref<257x257xi32, #tpu.memory_space<hbm>> -> memref<8x257xi32, #tpu.memory_space<hbm>>
      %dma_wait3A_23 = arith.constant 0 : i32
      %dma_wait3A_24 = arith.constant 0 : i32
      %dma_wait3A_25 = tpu.memref_slice %arg6[%dma_wait3A_23, %dma_wait3A_24] : memref<9x257xi32, #tpu.memory_space<vmem>> -> memref<8x257xi32, #tpu.memory_space<vmem>>
      %dma_wait3A_26 = arith.constant 0 : i32
      %dma_wait3A_27 = tpu.memref_slice %arg3[%mul3A_2, %dma_wait3A_26] : memref<257x257xi32, #tpu.memory_space<hbm>> -> memref<8x257xi32, #tpu.memory_space<hbm>>
      tpu.wait_dma2 semaphore(%run_scoped3A : memref<!tpu.dma_semaphore, #tpu.memory_space<semaphore_mem>>) src(%dma_wait3A_27 : memref<8x257xi32, #tpu.memory_space<hbm>>) dst(%dma_wait3A_25 : memref<8x257xi32, #tpu.memory_space<vmem>>)
      tpu.yield
    }) : () -> ()
    %scan3A = arith.constant 0 : i32
    %scan3A_3 = arith.constant 0 : i32
    %scan3A_4 = arith.constant 8 : i32
    %scan3A_5 = arith.addi %scan3A_3, %scan3A_4 : i32
    %scan3A_6 = arith.constant 1 : i32
    scf.for %scan3A_10 = %scan3A_3 to %scan3A_5 step %scan3A_6  : i32 {
      %scan3A_11 = arith.constant 0 : i32
      %scan3A_12 = arith.constant 0 : i32
      %scan3A_13 = arith.constant 16 : i32
      %scan3A_14 = arith.addi %scan3A_12, %scan3A_13 : i32
      %scan3A_15 = arith.constant 1 : i32
      scf.for %scan3A_24 = %scan3A_12 to %scan3A_14 step %scan3A_15  : i32 {
        %mul3A_25 = arith.constant 16 : i32
        %mul3A_26 = arith.muli %scan3A_24, %mul3A_25 : i32
        %get3A = arith.index_cast %scan3A_10 : i32 to index
        %get3A_27 = arith.index_cast %mul3A_26 : i32 to index
        %get3A_28 = tpu.vector_load %arg6[%get3A, %get3A_27] {strides = array<i32>} : memref<9x257xi32, #tpu.memory_space<vmem>>, vector<16xi32>,
        %mul3A_29 = arith.constant 16 : i32
        %mul3A_30 = vector.broadcast %mul3A_29 : i32 to vector<16xi32>
        %mul3A_31 = arith.muli %get3A_28, %mul3A_30 : vector<16xi32>
        %add3A_32 = arith.constant 0 : i32
        %add3A_33 = vector.broadcast %add3A_32 : i32 to vector<16xi32>
        %add3A_34 = arith.addi %mul3A_31, %add3A_33 : vector<16xi32>
        %gather3A_35 = tpu.vector_load_idx %arg5[%add3A_34] : memref<15424xf32, #tpu.memory_space<vmem>>[vector<16xi32>], vector<16xf32>,
        %swap3A = arith.constant 0 : i32
        %swap3A_36 = arith.index_cast %swap3A : i32 to index
        %swap3A_37 = arith.index_cast %scan3A_10 : i32 to index
        %swap3A_38 = arith.index_cast %mul3A_26 : i32 to index
        %swap3A_39 = tpu.vector_load %arg7[%swap3A_36, %swap3A_37, %swap3A_38] {strides = array<i32>} : memref<16x9x257xf32, #tpu.memory_space<vmem>>, vector<16xf32>,
        tpu.vector_store %arg7[%swap3A_36, %swap3A_37, %swap3A_38], %gather3A_35 {strides = array<i32>} : memref<16x9x257xf32, #tpu.memory_space<vmem>>, vector<16xf32>,
        %add3A_40 = arith.constant 1 : i32
        %add3A_41 = vector.broadcast %add3A_40 : i32 to vector<16xi32>
        %add3A_42 = arith.addi %mul3A_31, %add3A_41 : vector<16xi32>
        %gather3A_43 = tpu.vector_load_idx %arg5[%add3A_42] : memref<15424xf32, #tpu.memory_space<vmem>>[vector<16xi32>], vector<16xf32>,
        %swap3A_44 = arith.constant 1 : i32
        %swap3A_45 = arith.index_cast %swap3A_44 : i32 to index
        %swap3A_46 = arith.index_cast %scan3A_10 : i32 to index
        %swap3A_47 = arith.index_cast %mul3A_26 : i32 to index
        %swap3A_48 = tpu.vector_load %arg7[%swap3A_45, %swap3A_46, %swap3A_47] {strides = array<i32>} : memref<16x9x257xf32, #tpu.memory_space<vmem>>, vector<16xf32>,
        tpu.vector_store %arg7[%swap3A_45, %swap3A_46, %swap3A_47], %gather3A_43 {strides = array<i32>} : memref<16x9x257xf32, #tpu.memory_space<vmem>>, vector<16xf32>,
        %add3A_49 = arith.constant 2 : i32
        %add3A_50 = vector.broadcast %add3A_49 : i32 to vector<16xi32>
        %add3A_51 = arith.addi %mul3A_31, %add3A_50 : vector<16xi32>
        %gather3A_52 = tpu.vector_load_idx %arg5[%add3A_51] : memref<15424xf32, #tpu.memory_space<vmem>>[vector<16xi32>], vector<16xf32>,
        %swap3A_53 = arith.constant 2 : i32
        %swap3A_54 = arith.index_cast %swap3A_53 : i32 to index
        %swap3A_55 = arith.index_cast %scan3A_10 : i32 to index
        %swap3A_56 = arith.index_cast %mul3A_26 : i32 to index
        %swap3A_57 = tpu.vector_load %arg7[%swap3A_54, %swap3A_55, %swap3A_56] {strides = array<i32>} : memref<16x9x257xf32, #tpu.memory_space<vmem>>, vector<16xf32>,
        tpu.vector_store %arg7[%swap3A_54, %swap3A_55, %swap3A_56], %gather3A_52 {strides = array<i32>} : memref<16x9x257xf32, #tpu.memory_space<vmem>>, vector<16xf32>,
        %add3A_58 = arith.constant 3 : i32
        %add3A_59 = vector.broadcast %add3A_58 : i32 to vector<16xi32>
        %add3A_60 = arith.addi %mul3A_31, %add3A_59 : vector<16xi32>
        %gather3A_61 = tpu.vector_load_idx %arg5[%add3A_60] : memref<15424xf32, #tpu.memory_space<vmem>>[vector<16xi32>], vector<16xf32>,
        %swap3A_62 = arith.constant 3 : i32
        %swap3A_63 = arith.index_cast %swap3A_62 : i32 to index
        %swap3A_64 = arith.index_cast %scan3A_10 : i32 to index
        %swap3A_65 = arith.index_cast %mul3A_26 : i32 to index
        %swap3A_66 = tpu.vector_load %arg7[%swap3A_63, %swap3A_64, %swap3A_65] {strides = array<i32>} : memref<16x9x257xf32, #tpu.memory_space<vmem>>, vector<16xf32>,
        tpu.vector_store %arg7[%swap3A_63, %swap3A_64, %swap3A_65], %gather3A_61 {strides = array<i32>} : memref<16x9x257xf32, #tpu.memory_space<vmem>>, vector<16xf32>,
        %add3A_67 = arith.constant 4 : i32
        %add3A_68 = vector.broadcast %add3A_67 : i32 to vector<16xi32>
        %add3A_69 = arith.addi %mul3A_31, %add3A_68 : vector<16xi32>
        %gather3A_70 = tpu.vector_load_idx %arg5[%add3A_69] : memref<15424xf32, #tpu.memory_space<vmem>>[vector<16xi32>], vector<16xf32>,
        %swap3A_71 = arith.constant 4 : i32
        %swap3A_72 = arith.index_cast %swap3A_71 : i32 to index
        %swap3A_73 = arith.index_cast %scan3A_10 : i32 to index
        %swap3A_74 = arith.index_cast %mul3A_26 : i32 to index
        %swap3A_75 = tpu.vector_load %arg7[%swap3A_72, %swap3A_73, %swap3A_74] {strides = array<i32>} : memref<16x9x257xf32, #tpu.memory_space<vmem>>, vector<16xf32>,
        tpu.vector_store %arg7[%swap3A_72, %swap3A_73, %swap3A_74], %gather3A_70 {strides = array<i32>} : memref<16x9x257xf32, #tpu.memory_space<vmem>>, vector<16xf32>,
        %add3A_76 = arith.constant 5 : i32
        %add3A_77 = vector.broadcast %add3A_76 : i32 to vector<16xi32>
        %add3A_78 = arith.addi %mul3A_31, %add3A_77 : vector<16xi32>
        %gather3A_79 = tpu.vector_load_idx %arg5[%add3A_78] : memref<15424xf32, #tpu.memory_space<vmem>>[vector<16xi32>], vector<16xf32>,
        %swap3A_80 = arith.constant 5 : i32
        %swap3A_81 = arith.index_cast %swap3A_80 : i32 to index
        %swap3A_82 = arith.index_cast %scan3A_10 : i32 to index
        %swap3A_83 = arith.index_cast %mul3A_26 : i32 to index
        %swap3A_84 = tpu.vector_load %arg7[%swap3A_81, %swap3A_82, %swap3A_83] {strides = array<i32>} : memref<16x9x257xf32, #tpu.memory_space<vmem>>, vector<16xf32>,
        tpu.vector_store %arg7[%swap3A_81, %swap3A_82, %swap3A_83], %gather3A_79 {strides = array<i32>} : memref<16x9x257xf32, #tpu.memory_space<vmem>>, vector<16xf32>,
        %add3A_85 = arith.constant 6 : i32
        %add3A_86 = vector.broadcast %add3A_85 : i32 to vector<16xi32>
        %add3A_87 = arith.addi %mul3A_31, %add3A_86 : vector<16xi32>
        %gather3A_88 = tpu.vector_load_idx %arg5[%add3A_87] : memref<15424xf32, #tpu.memory_space<vmem>>[vector<16xi32>], vector<16xf32>,
        %swap3A_89 = arith.constant 6 : i32
        %swap3A_90 = arith.index_cast %swap3A_89 : i32 to index
        %swap3A_91 = arith.index_cast %scan3A_10 : i32 to index
        %swap3A_92 = arith.index_cast %mul3A_26 : i32 to index
        %swap3A_93 = tpu.vector_load %arg7[%swap3A_90, %swap3A_91, %swap3A_92] {strides = array<i32>} : memref<16x9x257xf32, #tpu.memory_space<vmem>>, vector<16xf32>,
        tpu.vector_store %arg7[%swap3A_90, %swap3A_91, %swap3A_92], %gather3A_88 {strides = array<i32>} : memref<16x9x257xf32, #tpu.memory_space<vmem>>, vector<16xf32>,
        %add3A_94 = arith.constant 7 : i32
        %add3A_95 = vector.broadcast %add3A_94 : i32 to vector<16xi32>
        %add3A_96 = arith.addi %mul3A_31, %add3A_95 : vector<16xi32>
        %gather3A_97 = tpu.vector_load_idx %arg5[%add3A_96] : memref<15424xf32, #tpu.memory_space<vmem>>[vector<16xi32>], vector<16xf32>,
        %swap3A_98 = arith.constant 7 : i32
        %swap3A_99 = arith.index_cast %swap3A_98 : i32 to index
        %swap3A_100 = arith.index_cast %scan3A_10 : i32 to index
        %swap3A_101 = arith.index_cast %mul3A_26 : i32 to index
        %swap3A_102 = tpu.vector_load %arg7[%swap3A_99, %swap3A_100, %swap3A_101] {strides = array<i32>} : memref<16x9x257xf32, #tpu.memory_space<vmem>>, vector<16xf32>,
        tpu.vector_store %arg7[%swap3A_99, %swap3A_100, %swap3A_101], %gather3A_97 {strides = array<i32>} : memref<16x9x257xf32, #tpu.memory_space<vmem>>, vector<16xf32>,
        %add3A_103 = arith.constant 8 : i32
        %add3A_104 = vector.broadcast %add3A_103 : i32 to vector<16xi32>
        %add3A_105 = arith.addi %mul3A_31, %add3A_104 : vector<16xi32>
        %gather3A_106 = tpu.vector_load_idx %arg5[%add3A_105] : memref<15424xf32, #tpu.memory_space<vmem>>[vector<16xi32>], vector<16xf32>,
        %swap3A_107 = arith.constant 8 : i32
        %swap3A_108 = arith.index_cast %swap3A_107 : i32 to index
        %swap3A_109 = arith.index_cast %scan3A_10 : i32 to index
        %swap3A_110 = arith.index_cast %mul3A_26 : i32 to index
        %swap3A_111 = tpu.vector_load %arg7[%swap3A_108, %swap3A_109, %swap3A_110] {strides = array<i32>} : memref<16x9x257xf32, #tpu.memory_space<vmem>>, vector<16xf32>,
        tpu.vector_store %arg7[%swap3A_108, %swap3A_109, %swap3A_110], %gather3A_106 {strides = array<i32>} : memref<16x9x257xf32, #tpu.memory_space<vmem>>, vector<16xf32>,
        %add3A_112 = arith.constant 9 : i32
        %add3A_113 = vector.broadcast %add3A_112 : i32 to vector<16xi32>
        %add3A_114 = arith.addi %mul3A_31, %add3A_113 : vector<16xi32>
        %gather3A_115 = tpu.vector_load_idx %arg5[%add3A_114] : memref<15424xf32, #tpu.memory_space<vmem>>[vector<16xi32>], vector<16xf32>,
        %swap3A_116 = arith.constant 9 : i32
        %swap3A_117 = arith.index_cast %swap3A_116 : i32 to index
        %swap3A_118 = arith.index_cast %scan3A_10 : i32 to index
        %swap3A_119 = arith.index_cast %mul3A_26 : i32 to index
        %swap3A_120 = tpu.vector_load %arg7[%swap3A_117, %swap3A_118, %swap3A_119] {strides = array<i32>} : memref<16x9x257xf32, #tpu.memory_space<vmem>>, vector<16xf32>,
        tpu.vector_store %arg7[%swap3A_117, %swap3A_118, %swap3A_119], %gather3A_115 {strides = array<i32>} : memref<16x9x257xf32, #tpu.memory_space<vmem>>, vector<16xf32>,
        %add3A_121 = arith.constant 10 : i32
        %add3A_122 = vector.broadcast %add3A_121 : i32 to vector<16xi32>
        %add3A_123 = arith.addi %mul3A_31, %add3A_122 : vector<16xi32>
        %gather3A_124 = tpu.vector_load_idx %arg5[%add3A_123] : memref<15424xf32, #tpu.memory_space<vmem>>[vector<16xi32>], vector<16xf32>,
        %swap3A_125 = arith.constant 10 : i32
        %swap3A_126 = arith.index_cast %swap3A_125 : i32 to index
        %swap3A_127 = arith.index_cast %scan3A_10 : i32 to index
        %swap3A_128 = arith.index_cast %mul3A_26 : i32 to index
        %swap3A_129 = tpu.vector_load %arg7[%swap3A_126, %swap3A_127, %swap3A_128] {strides = array<i32>} : memref<16x9x257xf32, #tpu.memory_space<vmem>>, vector<16xf32>,
        tpu.vector_store %arg7[%swap3A_126, %swap3A_127, %swap3A_128], %gather3A_124 {strides = array<i32>} : memref<16x9x257xf32, #tpu.memory_space<vmem>>, vector<16xf32>,
        %add3A_130 = arith.constant 11 : i32
        %add3A_131 = vector.broadcast %add3A_130 : i32 to vector<16xi32>
        %add3A_132 = arith.addi %mul3A_31, %add3A_131 : vector<16xi32>
        %gather3A_133 = tpu.vector_load_idx %arg5[%add3A_132] : memref<15424xf32, #tpu.memory_space<vmem>>[vector<16xi32>], vector<16xf32>,
        %swap3A_134 = arith.constant 11 : i32
        %swap3A_135 = arith.index_cast %swap3A_134 : i32 to index
        %swap3A_136 = arith.index_cast %scan3A_10 : i32 to index
        %swap3A_137 = arith.index_cast %mul3A_26 : i32 to index
        %swap3A_138 = tpu.vector_load %arg7[%swap3A_135, %swap3A_136, %swap3A_137] {strides = array<i32>} : memref<16x9x257xf32, #tpu.memory_space<vmem>>, vector<16xf32>,
        tpu.vector_store %arg7[%swap3A_135, %swap3A_136, %swap3A_137], %gather3A_133 {strides = array<i32>} : memref<16x9x257xf32, #tpu.memory_space<vmem>>, vector<16xf32>,
        %add3A_139 = arith.constant 12 : i32
        %add3A_140 = vector.broadcast %add3A_139 : i32 to vector<16xi32>
        %add3A_141 = arith.addi %mul3A_31, %add3A_140 : vector<16xi32>
        %gather3A_142 = tpu.vector_load_idx %arg5[%add3A_141] : memref<15424xf32, #tpu.memory_space<vmem>>[vector<16xi32>], vector<16xf32>,
        %swap3A_143 = arith.constant 12 : i32
        %swap3A_144 = arith.index_cast %swap3A_143 : i32 to index
        %swap3A_145 = arith.index_cast %scan3A_10 : i32 to index
        %swap3A_146 = arith.index_cast %mul3A_26 : i32 to index
        %swap3A_147 = tpu.vector_load %arg7[%swap3A_144, %swap3A_145, %swap3A_146] {strides = array<i32>} : memref<16x9x257xf32, #tpu.memory_space<vmem>>, vector<16xf32>,
        tpu.vector_store %arg7[%swap3A_144, %swap3A_145, %swap3A_146], %gather3A_142 {strides = array<i32>} : memref<16x9x257xf32, #tpu.memory_space<vmem>>, vector<16xf32>,
        %add3A_148 = arith.constant 13 : i32
        %add3A_149 = vector.broadcast %add3A_148 : i32 to vector<16xi32>
        %add3A_150 = arith.addi %mul3A_31, %add3A_149 : vector<16xi32>
        %gather3A_151 = tpu.vector_load_idx %arg5[%add3A_150] : memref<15424xf32, #tpu.memory_space<vmem>>[vector<16xi32>], vector<16xf32>,
        %swap3A_152 = arith.constant 13 : i32
        %swap3A_153 = arith.index_cast %swap3A_152 : i32 to index
        %swap3A_154 = arith.index_cast %scan3A_10 : i32 to index
        %swap3A_155 = arith.index_cast %mul3A_26 : i32 to index
        %swap3A_156 = tpu.vector_load %arg7[%swap3A_153, %swap3A_154, %swap3A_155] {strides = array<i32>} : memref<16x9x257xf32, #tpu.memory_space<vmem>>, vector<16xf32>,
        tpu.vector_store %arg7[%swap3A_153, %swap3A_154, %swap3A_155], %gather3A_151 {strides = array<i32>} : memref<16x9x257xf32, #tpu.memory_space<vmem>>, vector<16xf32>,
        %add3A_157 = arith.constant 14 : i32
        %add3A_158 = vector.broadcast %add3A_157 : i32 to vector<16xi32>
        %add3A_159 = arith.addi %mul3A_31, %add3A_158 : vector<16xi32>
        %gather3A_160 = tpu.vector_load_idx %arg5[%add3A_159] : memref<15424xf32, #tpu.memory_space<vmem>>[vector<16xi32>], vector<16xf32>,
        %swap3A_161 = arith.constant 14 : i32
        %swap3A_162 = arith.index_cast %swap3A_161 : i32 to index
        %swap3A_163 = arith.index_cast %scan3A_10 : i32 to index
        %swap3A_164 = arith.index_cast %mul3A_26 : i32 to index
        %swap3A_165 = tpu.vector_load %arg7[%swap3A_162, %swap3A_163, %swap3A_164] {strides = array<i32>} : memref<16x9x257xf32, #tpu.memory_space<vmem>>, vector<16xf32>,
        tpu.vector_store %arg7[%swap3A_162, %swap3A_163, %swap3A_164], %gather3A_160 {strides = array<i32>} : memref<16x9x257xf32, #tpu.memory_space<vmem>>, vector<16xf32>,
        %add3A_166 = arith.constant 15 : i32
        %add3A_167 = vector.broadcast %add3A_166 : i32 to vector<16xi32>
        %add3A_168 = arith.addi %mul3A_31, %add3A_167 : vector<16xi32>
        %gather3A_169 = tpu.vector_load_idx %arg5[%add3A_168] : memref<15424xf32, #tpu.memory_space<vmem>>[vector<16xi32>], vector<16xf32>,
        %swap3A_170 = arith.constant 15 : i32
        %swap3A_171 = arith.index_cast %swap3A_170 : i32 to index
        %swap3A_172 = arith.index_cast %scan3A_10 : i32 to index
        %swap3A_173 = arith.index_cast %mul3A_26 : i32 to index
        %swap3A_174 = tpu.vector_load %arg7[%swap3A_171, %swap3A_172, %swap3A_173] {strides = array<i32>} : memref<16x9x257xf32, #tpu.memory_space<vmem>>, vector<16xf32>,
        tpu.vector_store %arg7[%swap3A_171, %swap3A_172, %swap3A_173], %gather3A_169 {strides = array<i32>} : memref<16x9x257xf32, #tpu.memory_space<vmem>>, vector<16xf32>,
      }
      %scan3A_16 = arith.constant 16 : i32
      %iota3A = tpu.iota {dimensions = array<i32: 0>} : vector<16xi32>
      %broadcast_in_dim3A = vector.broadcast %scan3A_10 : i32 to vector<16xi32>
      %broadcast_in_dim3A_17 = arith.constant 256 : i32
      %broadcast_in_dim3A_18 = vector.broadcast %broadcast_in_dim3A_17 : i32 to vector<16xi32>
      %gather3A = tpu.vector_load_idx %arg6[%broadcast_in_dim3A, %broadcast_in_dim3A_18] : memref<9x257xi32, #tpu.memory_space<vmem>>[vector<16xi32>, vector<16xi32>], vector<16xi32>,
      %mul3A_19 = arith.constant 16 : i32
      %mul3A_20 = vector.broadcast %mul3A_19 : i32 to vector<16xi32>
      %mul3A_21 = arith.muli %gather3A, %mul3A_20 : vector<16xi32>
      %add3A_22 = arith.addi %mul3A_21, %iota3A : vector<16xi32>
      %gather3A_23 = tpu.vector_load_idx %arg5[%add3A_22] : memref<15424xf32, #tpu.memory_space<vmem>>[vector<16xi32>], vector<16xf32>,
      tpu.vector_store_idx %arg7[%iota3A, %broadcast_in_dim3A, %broadcast_in_dim3A_18], %gather3A_23 : memref<16x9x257xf32, #tpu.memory_space<vmem>>[vector<16xi32>, vector<16xi32>, vector<16xi32>], vector<16xf32>,
    }
    %scan3A_7 = arith.constant 8 : i32
    "tpu.region"() ({
      %run_scoped3A = tpu.sem_alloc : memref<!tpu.dma_semaphore, #tpu.memory_space<semaphore_mem>>
      %dma_start3A = arith.constant 0 : i32
      %dma_start3A_10 = arith.constant 0 : i32
      %dma_start3A_11 = arith.constant 0 : i32
      %dma_start3A_12 = tpu.memref_slice %arg7[%dma_start3A, %dma_start3A_10, %dma_start3A_11] : memref<16x9x257xf32, #tpu.memory_space<vmem>> -> memref<16x8x257xf32, #tpu.memory_space<vmem>>
      %dma_start3A_13 = arith.constant 0 : i32
      %dma_start3A_14 = arith.constant 0 : i32
      %dma_start3A_15 = tpu.memref_slice %arg4[%dma_start3A_13, %mul3A_2, %dma_start3A_14] : memref<16x257x257xf32, #tpu.memory_space<hbm>> -> memref<16x8x257xf32, #tpu.memory_space<hbm>>
      %dma_start3A_16 = arith.constant 0 : i32
      %dma_start3A_17 = arith.constant 0 : i32
      %dma_start3A_18 = tpu.memref_slice %arg4[%dma_start3A_16, %mul3A_2, %dma_start3A_17] : memref<16x257x257xf32, #tpu.memory_space<hbm>> -> memref<16x8x257xf32, #tpu.memory_space<hbm>>
      %dma_start3A_19 = arith.constant 0 : i32
      %dma_start3A_20 = arith.constant 0 : i32
      %dma_start3A_21 = arith.constant 0 : i32
      %dma_start3A_22 = tpu.memref_slice %arg7[%dma_start3A_19, %dma_start3A_20, %dma_start3A_21] : memref<16x9x257xf32, #tpu.memory_space<vmem>> -> memref<16x8x257xf32, #tpu.memory_space<vmem>>
      tpu.enqueue_dma source(%dma_start3A_22 : memref<16x8x257xf32, #tpu.memory_space<vmem>>) target(%dma_start3A_18 : memref<16x8x257xf32, #tpu.memory_space<hbm>>) target_semaphore(%run_scoped3A : memref<!tpu.dma_semaphore, #tpu.memory_space<semaphore_mem>>)
      %dma_wait3A = arith.constant 0 : i32
      %dma_wait3A_23 = arith.constant 0 : i32
      %dma_wait3A_24 = arith.constant 0 : i32
      %dma_wait3A_25 = tpu.memref_slice %arg7[%dma_wait3A, %dma_wait3A_23, %dma_wait3A_24] : memref<16x9x257xf32, #tpu.memory_space<vmem>> -> memref<16x8x257xf32, #tpu.memory_space<vmem>>
      %dma_wait3A_26 = arith.constant 0 : i32
      %dma_wait3A_27 = arith.constant 0 : i32
      %dma_wait3A_28 = tpu.memref_slice %arg4[%dma_wait3A_26, %mul3A_2, %dma_wait3A_27] : memref<16x257x257xf32, #tpu.memory_space<hbm>> -> memref<16x8x257xf32, #tpu.memory_space<hbm>>
      %dma_wait3A_29 = arith.constant 0 : i32
      %dma_wait3A_30 = arith.constant 0 : i32
      %dma_wait3A_31 = tpu.memref_slice %arg4[%dma_wait3A_29, %mul3A_2, %dma_wait3A_30] : memref<16x257x257xf32, #tpu.memory_space<hbm>> -> memref<16x8x257xf32, #tpu.memory_space<hbm>>
      %dma_wait3A_32 = arith.constant 0 : i32
      %dma_wait3A_33 = arith.constant 0 : i32
      %dma_wait3A_34 = arith.constant 0 : i32
      %dma_wait3A_35 = tpu.memref_slice %arg7[%dma_wait3A_32, %dma_wait3A_33, %dma_wait3A_34] : memref<16x9x257xf32, #tpu.memory_space<vmem>> -> memref<16x8x257xf32, #tpu.memory_space<vmem>>
      tpu.wait_dma2 semaphore(%run_scoped3A : memref<!tpu.dma_semaphore, #tpu.memory_space<semaphore_mem>>) src(%dma_wait3A_35 : memref<16x8x257xf32, #tpu.memory_space<vmem>>) dst(%dma_wait3A_31 : memref<16x8x257xf32, #tpu.memory_space<hbm>>)
      tpu.yield
    }) : () -> ()
    %eq3A = arith.constant 31 : i32
    %eq3A_8 = arith.cmpi eq, %add3A, %eq3A : i32
    %convert_element_type3A = arith.extui %eq3A_8 : i1 to i32
    %cond3A = arith.constant 0 : i32
    %cond3A_9 = arith.cmpi ne, %convert_element_type3A, %cond3A : i32
    scf.if %cond3A_9 {
      "tpu.region"() ({
        %run_scoped3A = tpu.sem_alloc : memref<!tpu.dma_semaphore, #tpu.memory_space<semaphore_mem>>
        %dma_start3A = arith.constant 8 : i32
        %dma_start3A_24 = arith.constant 0 : i32
        %dma_start3A_25 = tpu.memref_slice %arg6[%dma_start3A, %dma_start3A_24] : memref<9x257xi32, #tpu.memory_space<vmem>> -> memref<1x257xi32, #tpu.memory_space<vmem>>
        %dma_start3A_26 = arith.constant 256 : i32
        %dma_start3A_27 = arith.constant 0 : i32
        %dma_start3A_28 = tpu.memref_slice %arg3[%dma_start3A_26, %dma_start3A_27] : memref<257x257xi32, #tpu.memory_space<hbm>> -> memref<1x257xi32, #tpu.memory_space<hbm>>
        %dma_start3A_29 = arith.constant 8 : i32
        %dma_start3A_30 = arith.constant 0 : i32
        %dma_start3A_31 = tpu.memref_slice %arg6[%dma_start3A_29, %dma_start3A_30] : memref<9x257xi32, #tpu.memory_space<vmem>> -> memref<1x257xi32, #tpu.memory_space<vmem>>
        %dma_start3A_32 = arith.constant 256 : i32
        %dma_start3A_33 = arith.constant 0 : i32
        %dma_start3A_34 = tpu.memref_slice %arg3[%dma_start3A_32, %dma_start3A_33] : memref<257x257xi32, #tpu.memory_space<hbm>> -> memref<1x257xi32, #tpu.memory_space<hbm>>
        tpu.enqueue_dma source(%dma_start3A_34 : memref<1x257xi32, #tpu.memory_space<hbm>>) target(%dma_start3A_31 : memref<1x257xi32, #tpu.memory_space<vmem>>) target_semaphore(%run_scoped3A : memref<!tpu.dma_semaphore, #tpu.memory_space<semaphore_mem>>)
        %dma_wait3A = arith.constant 8 : i32
        %dma_wait3A_35 = arith.constant 0 : i32
        %dma_wait3A_36 = tpu.memref_slice %arg6[%dma_wait3A, %dma_wait3A_35] : memref<9x257xi32, #tpu.memory_space<vmem>> -> memref<1x257xi32, #tpu.memory_space<vmem>>
        %dma_wait3A_37 = arith.constant 256 : i32
        %dma_wait3A_38 = arith.constant 0 : i32
        %dma_wait3A_39 = tpu.memref_slice %arg3[%dma_wait3A_37, %dma_wait3A_38] : memref<257x257xi32, #tpu.memory_space<hbm>> -> memref<1x257xi32, #tpu.memory_space<hbm>>
        %dma_wait3A_40 = arith.constant 8 : i32
        %dma_wait3A_41 = arith.constant 0 : i32
        %dma_wait3A_42 = tpu.memref_slice %arg6[%dma_wait3A_40, %dma_wait3A_41] : memref<9x257xi32, #tpu.memory_space<vmem>> -> memref<1x257xi32, #tpu.memory_space<vmem>>
        %dma_wait3A_43 = arith.constant 256 : i32
        %dma_wait3A_44 = arith.constant 0 : i32
        %dma_wait3A_45 = tpu.memref_slice %arg3[%dma_wait3A_43, %dma_wait3A_44] : memref<257x257xi32, #tpu.memory_space<hbm>> -> memref<1x257xi32, #tpu.memory_space<hbm>>
        tpu.wait_dma2 semaphore(%run_scoped3A : memref<!tpu.dma_semaphore, #tpu.memory_space<semaphore_mem>>) src(%dma_wait3A_45 : memref<1x257xi32, #tpu.memory_space<hbm>>) dst(%dma_wait3A_42 : memref<1x257xi32, #tpu.memory_space<vmem>>)
        tpu.yield
      }) : () -> ()
      %scan3A_10 = arith.constant 0 : i32
      %scan3A_11 = arith.constant 0 : i32
      %scan3A_12 = arith.constant 16 : i32
      %scan3A_13 = arith.addi %scan3A_11, %scan3A_12 : i32
      %scan3A_14 = arith.constant 1 : i32
      scf.for %scan3A_24 = %scan3A_11 to %scan3A_13 step %scan3A_14  : i32 {
        %mul3A_25 = arith.constant 16 : i32
        %mul3A_26 = arith.muli %scan3A_24, %mul3A_25 : i32
        %get3A = arith.constant 8 : i32
        %get3A_27 = arith.index_cast %get3A : i32 to index
        %get3A_28 = arith.index_cast %mul3A_26 : i32 to index
        %get3A_29 = tpu.vector_load %arg6[%get3A_27, %get3A_28] {strides = array<i32>} : memref<9x257xi32, #tpu.memory_space<vmem>>, vector<16xi32>,
        %mul3A_30 = arith.constant 16 : i32
        %mul3A_31 = vector.broadcast %mul3A_30 : i32 to vector<16xi32>
        %mul3A_32 = arith.muli %get3A_29, %mul3A_31 : vector<16xi32>
        %add3A_33 = arith.constant 0 : i32
        %add3A_34 = vector.broadcast %add3A_33 : i32 to vector<16xi32>
        %add3A_35 = arith.addi %mul3A_32, %add3A_34 : vector<16xi32>
        %gather3A_36 = tpu.vector_load_idx %arg5[%add3A_35] : memref<15424xf32, #tpu.memory_space<vmem>>[vector<16xi32>], vector<16xf32>,
        %swap3A = arith.constant 0 : i32
        %swap3A_37 = arith.constant 8 : i32
        %swap3A_38 = arith.index_cast %swap3A : i32 to index
        %swap3A_39 = arith.index_cast %swap3A_37 : i32 to index
        %swap3A_40 = arith.index_cast %mul3A_26 : i32 to index
        %swap3A_41 = tpu.vector_load %arg7[%swap3A_38, %swap3A_39, %swap3A_40] {strides = array<i32>} : memref<16x9x257xf32, #tpu.memory_space<vmem>>, vector<16xf32>,
        tpu.vector_store %arg7[%swap3A_38, %swap3A_39, %swap3A_40], %gather3A_36 {strides = array<i32>} : memref<16x9x257xf32, #tpu.memory_space<vmem>>, vector<16xf32>,
        %add3A_42 = arith.constant 1 : i32
        %add3A_43 = vector.broadcast %add3A_42 : i32 to vector<16xi32>
        %add3A_44 = arith.addi %mul3A_32, %add3A_43 : vector<16xi32>
        %gather3A_45 = tpu.vector_load_idx %arg5[%add3A_44] : memref<15424xf32, #tpu.memory_space<vmem>>[vector<16xi32>], vector<16xf32>,
        %swap3A_46 = arith.constant 1 : i32
        %swap3A_47 = arith.constant 8 : i32
        %swap3A_48 = arith.index_cast %swap3A_46 : i32 to index
        %swap3A_49 = arith.index_cast %swap3A_47 : i32 to index
        %swap3A_50 = arith.index_cast %mul3A_26 : i32 to index
        %swap3A_51 = tpu.vector_load %arg7[%swap3A_48, %swap3A_49, %swap3A_50] {strides = array<i32>} : memref<16x9x257xf32, #tpu.memory_space<vmem>>, vector<16xf32>,
        tpu.vector_store %arg7[%swap3A_48, %swap3A_49, %swap3A_50], %gather3A_45 {strides = array<i32>} : memref<16x9x257xf32, #tpu.memory_space<vmem>>, vector<16xf32>,
        %add3A_52 = arith.constant 2 : i32
        %add3A_53 = vector.broadcast %add3A_52 : i32 to vector<16xi32>
        %add3A_54 = arith.addi %mul3A_32, %add3A_53 : vector<16xi32>
        %gather3A_55 = tpu.vector_load_idx %arg5[%add3A_54] : memref<15424xf32, #tpu.memory_space<vmem>>[vector<16xi32>], vector<16xf32>,
        %swap3A_56 = arith.constant 2 : i32
        %swap3A_57 = arith.constant 8 : i32
        %swap3A_58 = arith.index_cast %swap3A_56 : i32 to index
        %swap3A_59 = arith.index_cast %swap3A_57 : i32 to index
        %swap3A_60 = arith.index_cast %mul3A_26 : i32 to index
        %swap3A_61 = tpu.vector_load %arg7[%swap3A_58, %swap3A_59, %swap3A_60] {strides = array<i32>} : memref<16x9x257xf32, #tpu.memory_space<vmem>>, vector<16xf32>,
        tpu.vector_store %arg7[%swap3A_58, %swap3A_59, %swap3A_60], %gather3A_55 {strides = array<i32>} : memref<16x9x257xf32, #tpu.memory_space<vmem>>, vector<16xf32>,
        %add3A_62 = arith.constant 3 : i32
        %add3A_63 = vector.broadcast %add3A_62 : i32 to vector<16xi32>
        %add3A_64 = arith.addi %mul3A_32, %add3A_63 : vector<16xi32>
        %gather3A_65 = tpu.vector_load_idx %arg5[%add3A_64] : memref<15424xf32, #tpu.memory_space<vmem>>[vector<16xi32>], vector<16xf32>,
        %swap3A_66 = arith.constant 3 : i32
        %swap3A_67 = arith.constant 8 : i32
        %swap3A_68 = arith.index_cast %swap3A_66 : i32 to index
        %swap3A_69 = arith.index_cast %swap3A_67 : i32 to index
        %swap3A_70 = arith.index_cast %mul3A_26 : i32 to index
        %swap3A_71 = tpu.vector_load %arg7[%swap3A_68, %swap3A_69, %swap3A_70] {strides = array<i32>} : memref<16x9x257xf32, #tpu.memory_space<vmem>>, vector<16xf32>,
        tpu.vector_store %arg7[%swap3A_68, %swap3A_69, %swap3A_70], %gather3A_65 {strides = array<i32>} : memref<16x9x257xf32, #tpu.memory_space<vmem>>, vector<16xf32>,
        %add3A_72 = arith.constant 4 : i32
        %add3A_73 = vector.broadcast %add3A_72 : i32 to vector<16xi32>
        %add3A_74 = arith.addi %mul3A_32, %add3A_73 : vector<16xi32>
        %gather3A_75 = tpu.vector_load_idx %arg5[%add3A_74] : memref<15424xf32, #tpu.memory_space<vmem>>[vector<16xi32>], vector<16xf32>,
        %swap3A_76 = arith.constant 4 : i32
        %swap3A_77 = arith.constant 8 : i32
        %swap3A_78 = arith.index_cast %swap3A_76 : i32 to index
        %swap3A_79 = arith.index_cast %swap3A_77 : i32 to index
        %swap3A_80 = arith.index_cast %mul3A_26 : i32 to index
        %swap3A_81 = tpu.vector_load %arg7[%swap3A_78, %swap3A_79, %swap3A_80] {strides = array<i32>} : memref<16x9x257xf32, #tpu.memory_space<vmem>>, vector<16xf32>,
        tpu.vector_store %arg7[%swap3A_78, %swap3A_79, %swap3A_80], %gather3A_75 {strides = array<i32>} : memref<16x9x257xf32, #tpu.memory_space<vmem>>, vector<16xf32>,
        %add3A_82 = arith.constant 5 : i32
        %add3A_83 = vector.broadcast %add3A_82 : i32 to vector<16xi32>
        %add3A_84 = arith.addi %mul3A_32, %add3A_83 : vector<16xi32>
        %gather3A_85 = tpu.vector_load_idx %arg5[%add3A_84] : memref<15424xf32, #tpu.memory_space<vmem>>[vector<16xi32>], vector<16xf32>,
        %swap3A_86 = arith.constant 5 : i32
        %swap3A_87 = arith.constant 8 : i32
        %swap3A_88 = arith.index_cast %swap3A_86 : i32 to index
        %swap3A_89 = arith.index_cast %swap3A_87 : i32 to index
        %swap3A_90 = arith.index_cast %mul3A_26 : i32 to index
        %swap3A_91 = tpu.vector_load %arg7[%swap3A_88, %swap3A_89, %swap3A_90] {strides = array<i32>} : memref<16x9x257xf32, #tpu.memory_space<vmem>>, vector<16xf32>,
        tpu.vector_store %arg7[%swap3A_88, %swap3A_89, %swap3A_90], %gather3A_85 {strides = array<i32>} : memref<16x9x257xf32, #tpu.memory_space<vmem>>, vector<16xf32>,
        %add3A_92 = arith.constant 6 : i32
        %add3A_93 = vector.broadcast %add3A_92 : i32 to vector<16xi32>
        %add3A_94 = arith.addi %mul3A_32, %add3A_93 : vector<16xi32>
        %gather3A_95 = tpu.vector_load_idx %arg5[%add3A_94] : memref<15424xf32, #tpu.memory_space<vmem>>[vector<16xi32>], vector<16xf32>,
        %swap3A_96 = arith.constant 6 : i32
        %swap3A_97 = arith.constant 8 : i32
        %swap3A_98 = arith.index_cast %swap3A_96 : i32 to index
        %swap3A_99 = arith.index_cast %swap3A_97 : i32 to index
        %swap3A_100 = arith.index_cast %mul3A_26 : i32 to index
        %swap3A_101 = tpu.vector_load %arg7[%swap3A_98, %swap3A_99, %swap3A_100] {strides = array<i32>} : memref<16x9x257xf32, #tpu.memory_space<vmem>>, vector<16xf32>,
        tpu.vector_store %arg7[%swap3A_98, %swap3A_99, %swap3A_100], %gather3A_95 {strides = array<i32>} : memref<16x9x257xf32, #tpu.memory_space<vmem>>, vector<16xf32>,
        %add3A_102 = arith.constant 7 : i32
        %add3A_103 = vector.broadcast %add3A_102 : i32 to vector<16xi32>
        %add3A_104 = arith.addi %mul3A_32, %add3A_103 : vector<16xi32>
        %gather3A_105 = tpu.vector_load_idx %arg5[%add3A_104] : memref<15424xf32, #tpu.memory_space<vmem>>[vector<16xi32>], vector<16xf32>,
        %swap3A_106 = arith.constant 7 : i32
        %swap3A_107 = arith.constant 8 : i32
        %swap3A_108 = arith.index_cast %swap3A_106 : i32 to index
        %swap3A_109 = arith.index_cast %swap3A_107 : i32 to index
        %swap3A_110 = arith.index_cast %mul3A_26 : i32 to index
        %swap3A_111 = tpu.vector_load %arg7[%swap3A_108, %swap3A_109, %swap3A_110] {strides = array<i32>} : memref<16x9x257xf32, #tpu.memory_space<vmem>>, vector<16xf32>,
        tpu.vector_store %arg7[%swap3A_108, %swap3A_109, %swap3A_110], %gather3A_105 {strides = array<i32>} : memref<16x9x257xf32, #tpu.memory_space<vmem>>, vector<16xf32>,
        %add3A_112 = arith.constant 8 : i32
        %add3A_113 = vector.broadcast %add3A_112 : i32 to vector<16xi32>
        %add3A_114 = arith.addi %mul3A_32, %add3A_113 : vector<16xi32>
        %gather3A_115 = tpu.vector_load_idx %arg5[%add3A_114] : memref<15424xf32, #tpu.memory_space<vmem>>[vector<16xi32>], vector<16xf32>,
        %swap3A_116 = arith.constant 8 : i32
        %swap3A_117 = arith.constant 8 : i32
        %swap3A_118 = arith.index_cast %swap3A_116 : i32 to index
        %swap3A_119 = arith.index_cast %swap3A_117 : i32 to index
        %swap3A_120 = arith.index_cast %mul3A_26 : i32 to index
        %swap3A_121 = tpu.vector_load %arg7[%swap3A_118, %swap3A_119, %swap3A_120] {strides = array<i32>} : memref<16x9x257xf32, #tpu.memory_space<vmem>>, vector<16xf32>,
        tpu.vector_store %arg7[%swap3A_118, %swap3A_119, %swap3A_120], %gather3A_115 {strides = array<i32>} : memref<16x9x257xf32, #tpu.memory_space<vmem>>, vector<16xf32>,
        %add3A_122 = arith.constant 9 : i32
        %add3A_123 = vector.broadcast %add3A_122 : i32 to vector<16xi32>
        %add3A_124 = arith.addi %mul3A_32, %add3A_123 : vector<16xi32>
        %gather3A_125 = tpu.vector_load_idx %arg5[%add3A_124] : memref<15424xf32, #tpu.memory_space<vmem>>[vector<16xi32>], vector<16xf32>,
        %swap3A_126 = arith.constant 9 : i32
        %swap3A_127 = arith.constant 8 : i32
        %swap3A_128 = arith.index_cast %swap3A_126 : i32 to index
        %swap3A_129 = arith.index_cast %swap3A_127 : i32 to index
        %swap3A_130 = arith.index_cast %mul3A_26 : i32 to index
        %swap3A_131 = tpu.vector_load %arg7[%swap3A_128, %swap3A_129, %swap3A_130] {strides = array<i32>} : memref<16x9x257xf32, #tpu.memory_space<vmem>>, vector<16xf32>,
        tpu.vector_store %arg7[%swap3A_128, %swap3A_129, %swap3A_130], %gather3A_125 {strides = array<i32>} : memref<16x9x257xf32, #tpu.memory_space<vmem>>, vector<16xf32>,
        %add3A_132 = arith.constant 10 : i32
        %add3A_133 = vector.broadcast %add3A_132 : i32 to vector<16xi32>
        %add3A_134 = arith.addi %mul3A_32, %add3A_133 : vector<16xi32>
        %gather3A_135 = tpu.vector_load_idx %arg5[%add3A_134] : memref<15424xf32, #tpu.memory_space<vmem>>[vector<16xi32>], vector<16xf32>,
        %swap3A_136 = arith.constant 10 : i32
        %swap3A_137 = arith.constant 8 : i32
        %swap3A_138 = arith.index_cast %swap3A_136 : i32 to index
        %swap3A_139 = arith.index_cast %swap3A_137 : i32 to index
        %swap3A_140 = arith.index_cast %mul3A_26 : i32 to index
        %swap3A_141 = tpu.vector_load %arg7[%swap3A_138, %swap3A_139, %swap3A_140] {strides = array<i32>} : memref<16x9x257xf32, #tpu.memory_space<vmem>>, vector<16xf32>,
        tpu.vector_store %arg7[%swap3A_138, %swap3A_139, %swap3A_140], %gather3A_135 {strides = array<i32>} : memref<16x9x257xf32, #tpu.memory_space<vmem>>, vector<16xf32>,
        %add3A_142 = arith.constant 11 : i32
        %add3A_143 = vector.broadcast %add3A_142 : i32 to vector<16xi32>
        %add3A_144 = arith.addi %mul3A_32, %add3A_143 : vector<16xi32>
        %gather3A_145 = tpu.vector_load_idx %arg5[%add3A_144] : memref<15424xf32, #tpu.memory_space<vmem>>[vector<16xi32>], vector<16xf32>,
        %swap3A_146 = arith.constant 11 : i32
        %swap3A_147 = arith.constant 8 : i32
        %swap3A_148 = arith.index_cast %swap3A_146 : i32 to index
        %swap3A_149 = arith.index_cast %swap3A_147 : i32 to index
        %swap3A_150 = arith.index_cast %mul3A_26 : i32 to index
        %swap3A_151 = tpu.vector_load %arg7[%swap3A_148, %swap3A_149, %swap3A_150] {strides = array<i32>} : memref<16x9x257xf32, #tpu.memory_space<vmem>>, vector<16xf32>,
        tpu.vector_store %arg7[%swap3A_148, %swap3A_149, %swap3A_150], %gather3A_145 {strides = array<i32>} : memref<16x9x257xf32, #tpu.memory_space<vmem>>, vector<16xf32>,
        %add3A_152 = arith.constant 12 : i32
        %add3A_153 = vector.broadcast %add3A_152 : i32 to vector<16xi32>
        %add3A_154 = arith.addi %mul3A_32, %add3A_153 : vector<16xi32>
        %gather3A_155 = tpu.vector_load_idx %arg5[%add3A_154] : memref<15424xf32, #tpu.memory_space<vmem>>[vector<16xi32>], vector<16xf32>,
        %swap3A_156 = arith.constant 12 : i32
        %swap3A_157 = arith.constant 8 : i32
        %swap3A_158 = arith.index_cast %swap3A_156 : i32 to index
        %swap3A_159 = arith.index_cast %swap3A_157 : i32 to index
        %swap3A_160 = arith.index_cast %mul3A_26 : i32 to index
        %swap3A_161 = tpu.vector_load %arg7[%swap3A_158, %swap3A_159, %swap3A_160] {strides = array<i32>} : memref<16x9x257xf32, #tpu.memory_space<vmem>>, vector<16xf32>,
        tpu.vector_store %arg7[%swap3A_158, %swap3A_159, %swap3A_160], %gather3A_155 {strides = array<i32>} : memref<16x9x257xf32, #tpu.memory_space<vmem>>, vector<16xf32>,
        %add3A_162 = arith.constant 13 : i32
        %add3A_163 = vector.broadcast %add3A_162 : i32 to vector<16xi32>
        %add3A_164 = arith.addi %mul3A_32, %add3A_163 : vector<16xi32>
        %gather3A_165 = tpu.vector_load_idx %arg5[%add3A_164] : memref<15424xf32, #tpu.memory_space<vmem>>[vector<16xi32>], vector<16xf32>,
        %swap3A_166 = arith.constant 13 : i32
        %swap3A_167 = arith.constant 8 : i32
        %swap3A_168 = arith.index_cast %swap3A_166 : i32 to index
        %swap3A_169 = arith.index_cast %swap3A_167 : i32 to index
        %swap3A_170 = arith.index_cast %mul3A_26 : i32 to index
        %swap3A_171 = tpu.vector_load %arg7[%swap3A_168, %swap3A_169, %swap3A_170] {strides = array<i32>} : memref<16x9x257xf32, #tpu.memory_space<vmem>>, vector<16xf32>,
        tpu.vector_store %arg7[%swap3A_168, %swap3A_169, %swap3A_170], %gather3A_165 {strides = array<i32>} : memref<16x9x257xf32, #tpu.memory_space<vmem>>, vector<16xf32>,
        %add3A_172 = arith.constant 14 : i32
        %add3A_173 = vector.broadcast %add3A_172 : i32 to vector<16xi32>
        %add3A_174 = arith.addi %mul3A_32, %add3A_173 : vector<16xi32>
        %gather3A_175 = tpu.vector_load_idx %arg5[%add3A_174] : memref<15424xf32, #tpu.memory_space<vmem>>[vector<16xi32>], vector<16xf32>,
        %swap3A_176 = arith.constant 14 : i32
        %swap3A_177 = arith.constant 8 : i32
        %swap3A_178 = arith.index_cast %swap3A_176 : i32 to index
        %swap3A_179 = arith.index_cast %swap3A_177 : i32 to index
        %swap3A_180 = arith.index_cast %mul3A_26 : i32 to index
        %swap3A_181 = tpu.vector_load %arg7[%swap3A_178, %swap3A_179, %swap3A_180] {strides = array<i32>} : memref<16x9x257xf32, #tpu.memory_space<vmem>>, vector<16xf32>,
        tpu.vector_store %arg7[%swap3A_178, %swap3A_179, %swap3A_180], %gather3A_175 {strides = array<i32>} : memref<16x9x257xf32, #tpu.memory_space<vmem>>, vector<16xf32>,
        %add3A_182 = arith.constant 15 : i32
        %add3A_183 = vector.broadcast %add3A_182 : i32 to vector<16xi32>
        %add3A_184 = arith.addi %mul3A_32, %add3A_183 : vector<16xi32>
        %gather3A_185 = tpu.vector_load_idx %arg5[%add3A_184] : memref<15424xf32, #tpu.memory_space<vmem>>[vector<16xi32>], vector<16xf32>,
        %swap3A_186 = arith.constant 15 : i32
        %swap3A_187 = arith.constant 8 : i32
        %swap3A_188 = arith.index_cast %swap3A_186 : i32 to index
        %swap3A_189 = arith.index_cast %swap3A_187 : i32 to index
        %swap3A_190 = arith.index_cast %mul3A_26 : i32 to index
        %swap3A_191 = tpu.vector_load %arg7[%swap3A_188, %swap3A_189, %swap3A_190] {strides = array<i32>} : memref<16x9x257xf32, #tpu.memory_space<vmem>>, vector<16xf32>,
        tpu.vector_store %arg7[%swap3A_188, %swap3A_189, %swap3A_190], %gather3A_185 {strides = array<i32>} : memref<16x9x257xf32, #tpu.memory_space<vmem>>, vector<16xf32>,
      }
      %scan3A_15 = arith.constant 16 : i32
      %iota3A = tpu.iota {dimensions = array<i32: 0>} : vector<16xi32>
      %broadcast_in_dim3A = arith.constant 8 : i32
      %broadcast_in_dim3A_16 = vector.broadcast %broadcast_in_dim3A : i32 to vector<16xi32>
      %broadcast_in_dim3A_17 = arith.constant 256 : i32
      %broadcast_in_dim3A_18 = vector.broadcast %broadcast_in_dim3A_17 : i32 to vector<16xi32>
      %gather3A = tpu.vector_load_idx %arg6[%broadcast_in_dim3A_16, %broadcast_in_dim3A_18] : memref<9x257xi32, #tpu.memory_space<vmem>>[vector<16xi32>, vector<16xi32>], vector<16xi32>,
      %mul3A_19 = arith.constant 16 : i32
      %mul3A_20 = vector.broadcast %mul3A_19 : i32 to vector<16xi32>
      %mul3A_21 = arith.muli %gather3A, %mul3A_20 : vector<16xi32>
      %add3A_22 = arith.addi %mul3A_21, %iota3A : vector<16xi32>
      %gather3A_23 = tpu.vector_load_idx %arg5[%add3A_22] : memref<15424xf32, #tpu.memory_space<vmem>>[vector<16xi32>], vector<16xf32>,
      tpu.vector_store_idx %arg7[%iota3A, %broadcast_in_dim3A_16, %broadcast_in_dim3A_18], %gather3A_23 : memref<16x9x257xf32, #tpu.memory_space<vmem>>[vector<16xi32>, vector<16xi32>, vector<16xi32>], vector<16xf32>,
      "tpu.region"() ({
        %run_scoped3A = tpu.sem_alloc : memref<!tpu.dma_semaphore, #tpu.memory_space<semaphore_mem>>
        %dma_start3A = arith.constant 0 : i32
        %dma_start3A_24 = arith.constant 8 : i32
        %dma_start3A_25 = arith.constant 0 : i32
        %dma_start3A_26 = tpu.memref_slice %arg7[%dma_start3A, %dma_start3A_24, %dma_start3A_25] : memref<16x9x257xf32, #tpu.memory_space<vmem>> -> memref<16x1x257xf32, #tpu.memory_space<vmem>>
        %dma_start3A_27 = arith.constant 0 : i32
        %dma_start3A_28 = arith.constant 256 : i32
        %dma_start3A_29 = arith.constant 0 : i32
        %dma_start3A_30 = tpu.memref_slice %arg4[%dma_start3A_27, %dma_start3A_28, %dma_start3A_29] : memref<16x257x257xf32, #tpu.memory_space<hbm>> -> memref<16x1x257xf32, #tpu.memory_space<hbm>>
        %dma_start3A_31 = arith.constant 0 : i32
        %dma_start3A_32 = arith.constant 256 : i32
        %dma_start3A_33 = arith.constant 0 : i32
        %dma_start3A_34 = tpu.memref_slice %arg4[%dma_start3A_31, %dma_start3A_32, %dma_start3A_33] : memref<16x257x257xf32, #tpu.memory_space<hbm>> -> memref<16x1x257xf32, #tpu.memory_space<hbm>>
        %dma_start3A_35 = arith.constant 0 : i32
        %dma_start3A_36 = arith.constant 8 : i32
        %dma_start3A_37 = arith.constant 0 : i32
        %dma_start3A_38 = tpu.memref_slice %arg7[%dma_start3A_35, %dma_start3A_36, %dma_start3A_37] : memref<16x9x257xf32, #tpu.memory_space<vmem>> -> memref<16x1x257xf32, #tpu.memory_space<vmem>>
        tpu.enqueue_dma source(%dma_start3A_38 : memref<16x1x257xf32, #tpu.memory_space<vmem>>) target(%dma_start3A_34 : memref<16x1x257xf32, #tpu.memory_space<hbm>>) target_semaphore(%run_scoped3A : memref<!tpu.dma_semaphore, #tpu.memory_space<semaphore_mem>>)
        %dma_wait3A = arith.constant 0 : i32
        %dma_wait3A_39 = arith.constant 8 : i32
        %dma_wait3A_40 = arith.constant 0 : i32
        %dma_wait3A_41 = tpu.memref_slice %arg7[%dma_wait3A, %dma_wait3A_39, %dma_wait3A_40] : memref<16x9x257xf32, #tpu.memory_space<vmem>> -> memref<16x1x257xf32, #tpu.memory_space<vmem>>
        %dma_wait3A_42 = arith.constant 0 : i32
        %dma_wait3A_43 = arith.constant 256 : i32
        %dma_wait3A_44 = arith.constant 0 : i32
        %dma_wait3A_45 = tpu.memref_slice %arg4[%dma_wait3A_42, %dma_wait3A_43, %dma_wait3A_44] : memref<16x257x257xf32, #tpu.memory_space<hbm>> -> memref<16x1x257xf32, #tpu.memory_space<hbm>>
        %dma_wait3A_46 = arith.constant 0 : i32
        %dma_wait3A_47 = arith.constant 256 : i32
        %dma_wait3A_48 = arith.constant 0 : i32
        %dma_wait3A_49 = tpu.memref_slice %arg4[%dma_wait3A_46, %dma_wait3A_47, %dma_wait3A_48] : memref<16x257x257xf32, #tpu.memory_space<hbm>> -> memref<16x1x257xf32, #tpu.memory_space<hbm>>
        %dma_wait3A_50 = arith.constant 0 : i32
        %dma_wait3A_51 = arith.constant 8 : i32
        %dma_wait3A_52 = arith.constant 0 : i32
        %dma_wait3A_53 = tpu.memref_slice %arg7[%dma_wait3A_50, %dma_wait3A_51, %dma_wait3A_52] : memref<16x9x257xf32, #tpu.memory_space<vmem>> -> memref<16x1x257xf32, #tpu.memory_space<vmem>>
        tpu.wait_dma2 semaphore(%run_scoped3A : memref<!tpu.dma_semaphore, #tpu.memory_space<semaphore_mem>>) src(%dma_wait3A_53 : memref<16x1x257xf32, #tpu.memory_space<vmem>>) dst(%dma_wait3A_49 : memref<16x1x257xf32, #tpu.memory_space<hbm>>)
        tpu.yield
      }) : () -> ()
    } else {
    }
    return
  }
}

</mosaic_0001>

<sc_bundles>
// kernel: kernel.3.cloned.1.call-start
scs
__scs_entry_jumppad:
0x0: {  	(pc) =	sbr.rel $0x88, $3  }
0x1: {  	(tag) =	ssettag $0x0;
	lr =	simm.s32 $0x1  }
0x2: {  	[smem:$0x3F9E] =	sst lr;
	_ =	strace $0xD0000000  }
0x3: {  	_ = 	snop  }
0x4: {  	_ = 	snop  }
0x5: {  	_ = 	snop  }
0x6: {  	_ = 	snop  }
0x7: {  	_ = 	snop  }
__scs_overlays_trampoline_lowered:
0x8: {  	[smem:$0x3FAD] =	sst s0  }
0x9: {  	[smem:$0x3FAE] =	sst s1  }
0xa: {  	[smem:$0x3FAF] =	sst s2  }
0xb: {  	[smem:$0x3FB0] =	sst s3  }
0xc: {  	[smem:$0x3FB1] =	sst s4  }
0xd: {  	[smem:$0x3FB2] =	sst s5  }
0xe: {  	[smem:$0x3FB3] =	sst s6  }
0xf: {  	[smem:$0x3FB4] =	sst s7  }
0x10: {  	[smem:$0x3FB5] =	sst s8  }
0x11: {  	[smem:$0x3FB6] =	sst s9;
	s0 =	simm.s32 @!p0 $0x0  }
0x12: {  	s1 =	sld [smem:$0x3F9C];
	s0 =	simm.s32 @p0 $0x1  }
0x13: {  	[smem:$0x3FB7] =	sst s0;
	s0 =	simm.s32 @!p1 $0x0  }
0x14: {  	s2 =	sld [smem:$0x3F9B];
	s0 =	simm.s32 @p1 $0x1  }
0x15: {  	[smem:$0x3FB8] =	sst s0;
	s0 =	simm.s32 @!p2 $0x0  }
0x16: {  	s3 =	sld [smem:$0x3FDB];
	s0 =	simm.s32 @p2 $0x1  }
0x17: {  	s4 =	simm.s32 $0x1BF5;
	[smem:$0x3FBA] =	sst s0  }
0x18: {  	s0 =	sld [smem:$0x3F9D];
	_ =	swait.ge [sflag:s4], $0x0  }
0x19: {  	s7 =	sld [smem:$0x3F9E]  }
0x1a: {  	s8 =	sadd.s32 $0xFFFFE003, lr  }
0x1b: {  	s9 =	sadd.s32 $0xFFFFFEF7, lr;
	s5 =	simm.s32 $0xFFFFFFFF;
	p2 =	slt.u32 s8, $0xFFFFF086  }
0x1c: {  	p1 =	slt.u32 s9, $0xF7A;
	s5 =	simm.s32 @!p2 $0x0  }
0x1d: {  	s5 =	simm.s32 @p1 $0x1;
	p0 =	seq.s32 s7, s2  }
0x1e: {  	s7 =	smul.u32 @!p0 $0xF7A, s2;
	p2 =	seq.s32 @!p0 s5, $0x0  }
0x1f: {  	s9 =	smul.u32 $0xF7A, s1;
	s8 =	simm.s32 @!p0 $0x1BF5;
	p2 =	por !p2, p0  }
0x20: {  	[sflag:s8] =	ssyncset.s32 @!p0 $0xFFFFF086;
	s6 =	sadd.s32 @!p0 s3, s7;
	s7 =	simm.s32 @!p0 $0x108  }
0x21: {  	s3 =	sadd.s32 s3, s9;
	s6 =	sadd.s32 @!p0 $0x88, s6;
	s7 =	simm.s32 @p2 $0x1082  }
0x22: {  	[simem:s7], [sflag:s8] =	dma.local @!p0 [hbm:s6], $0xF7A  }
0x23: {  	s9 =	sor.u32 $0xD0000000, s2;
	s6 =	simm.s32 $0x108;
	_ =	swait.ge @!p0 [sflag:s8], $0x0  }
0x24: {  	s3 =	sadd.s32 $0x88, s3;
	s6 =	simm.s32 @!p1 $0x1082;
	[sflag:s4] =	ssyncset.s32 $0xFFFFF086  }
0x25: {  	[simem:s6], [sflag:s4] =	dma.local [hbm:s3], $0xF7A  }
0x26: {  	[smem:$0x3F9E] =	sst s1;
	(tag) =	ssettag s2;
	_ =	strace s9  }
0x27: {  	s1 =	sld [smem:$0x3FAE]  }
0x28: {  	s2 =	sld [smem:$0x3FAF]  }
0x29: {  	s4 =	sld [smem:$0x3FB1]  }
0x2a: {  	p0 =	seq.s32 s5, $0x0;
	s5 =	sld [smem:$0x3FB2]  }
0x2b: {  	s6 =	sld [smem:$0x3FB3]  }
0x2c: {  	s7 =	sld [smem:$0x3FB4]  }
0x2d: {  	s3 =	simm.s32 $0x108;
	s8 =	sld [smem:$0x3FB5]  }
0x2e: {  	s3 =	simm.s32 @!p0 $0x1082;
	s9 =	sld [smem:$0x3FB6]  }
0x2f: {  	lr =	sadd.s32 s0, s3;
	s0 =	sld [smem:$0x3FAD]  }
0x30: {  	s3 =	sld [smem:$0x3FB0]  }
0x31: {  	[smem:$0x3FB9] =	sst s10  }
0x32: {  	s10 =	sld [smem:$0x3FB7];
	_ =	sdelay $0x3  }
0x33: {  	p0 =	seq.s32 s10, $0x1;
	s10 =	sld [smem:$0x3FB9];
	_ =	sdelay $0x3  }
0x34: {  	[smem:$0x3FB9] =	sst s10  }
0x35: {  	s10 =	sld [smem:$0x3FB8];
	_ =	sdelay $0x3  }
0x36: {  	p1 =	seq.s32 s10, $0x1;
	s10 =	sld [smem:$0x3FB9];
	_ =	sdelay $0x3  }
0x37: {  	[smem:$0x3FB9] =	sst s10  }
0x38: {  	s10 =	sld [smem:$0x3FBA]  }
0x39: {  	_ = 	snop;
	(pc) =	sbr.ind lr, $3  }
0x3a: {  	_ = 	snop  }
0x3b: {  	_ = 	snop  }
0x3c: {  	p2 =	seq.s32 s10, $0x1;
	s10 =	sld [smem:$0x3FB9]  }
0x3d: {  	_ =	shalt  }
0x3e: {  	_ =	shalt  }
0x3f: {  	_ =	shalt  }
0x40: {  	_ =	shalt  }
0x41: {  	_ =	shalt  }
0x42: {  	_ =	shalt  }
0x43: {  	_ =	shalt  }
0x44: {  	_ =	shalt  }
0x45: {  	_ =	shalt  }
0x46: {  	_ =	shalt  }
0x47: {  	_ =	shalt  }
0x48: {  	_ =	shalt  }
0x49: {  	_ =	shalt  }
0x4a: {  	_ =	shalt  }
0x4b: {  	_ =	shalt  }
0x4c: {  	_ =	shalt  }
0x4d: {  	_ =	shalt  }
0x4e: {  	_ =	shalt  }
0x4f: {  	_ =	shalt  }
0x50: {  	_ =	shalt  }
0x51: {  	_ =	shalt  }
0x52: {  	_ =	shalt  }
0x53: {  	_ =	shalt  }
0x54: {  	_ =	shalt  }
0x55: {  	_ =	shalt  }
0x56: {  	_ =	shalt  }
0x57: {  	_ =	shalt  }
0x58: {  	_ =	shalt  }
0x59: {  	_ =	shalt  }
0x5a: {  	_ =	shalt  }
0x5b: {  	_ =	shalt  }
0x5c: {  	_ =	shalt  }
0x5d: {  	_ =	shalt  }
0x5e: {  	_ =	shalt  }
0x5f: {  	_ =	shalt  }
0x60: {  	_ =	shalt  }
0x61: {  	_ =	shalt  }
0x62: {  	_ =	shalt  }
0x63: {  	_ =	shalt  }
0x64: {  	_ =	shalt  }
0x65: {  	_ =	shalt  }
0x66: {  	_ =	shalt  }
0x67: {  	_ =	shalt  }
0x68: {  	_ =	shalt  }
0x69: {  	_ =	shalt  }
0x6a: {  	_ =	shalt  }
0x6b: {  	_ =	shalt  }
0x6c: {  	_ =	shalt  }
0x6d: {  	_ =	shalt  }
0x6e: {  	_ =	shalt  }
0x6f: {  	_ =	shalt  }
0x70: {  	_ =	shalt  }
0x71: {  	_ =	shalt  }
0x72: {  	_ =	shalt  }
0x73: {  	_ =	shalt  }
0x74: {  	_ =	shalt  }
0x75: {  	_ =	shalt  }
0x76: {  	_ =	shalt  }
0x77: {  	_ =	shalt  }
0x78: {  	_ =	shalt  }
0x79: {  	_ =	shalt  }
0x7a: {  	_ =	shalt  }
0x7b: {  	_ =	shalt  }
0x7c: {  	_ =	shalt  }
0x7d: {  	_ =	shalt  }
0x7e: {  	_ =	shalt  }
0x7f: {  	_ =	shalt  }
0x80: {  	_ =	shalt  }
0x81: {  	_ =	shalt  }
0x82: {  	_ =	shalt  }
0x83: {  	_ =	shalt  }
0x84: {  	_ =	shalt  }
0x85: {  	_ =	shalt  }
0x86: {  	_ =	shalt  }
0x87: {  	_ =	shalt  }
.Lfunc_end0:
.L_simem_size_0:
called_computation_lowered:
.L_overlay_start_0:
0x88: {  	s2 =	sld [smem:$0x3FD9]  }
0x89: {  	s3 =	sld [smem:$0x3FFE];
	_ =	sdelay $0x1  }
0x8a: {  	s1 =	srdreg.scid  }
0x8b: {  	s0 =	sand.u32 $0x1, s1  }
0x8c: {  	s17 =	sshll.u32 s0, $0xA;
	s2 =	sadd.s32 s3, s2  }
0x8d: {  	s2 =	sadd.s32 s2, s17  }
0x8e: {  	[smem:$0x3FC5] =	sst s2  }
0x8f: {  	_ = 	snop  }
0x90: {  	s2 =	sld [smem:$0x3FC7]  }
0x91: {  	s18 =	sld [smem:$0x3FD0];
	(tm) =	ssettm $0x1  }
0x92: {  	s4 =	sld [smem:$0x3FFB];
	_ =	sdelay $0x3  }
0x93: {  	_ =	strace s4  }
0x94: {  	s4 =	sld [smem:$0x3FFC];
	_ =	sdelay $0x3  }
0x95: {  	_ =	strace s4  }
0x96: {  	s4 =	sld [smem:$0x3FFD];
	_ =	sdelay $0x3  }
0x97: {  	_ =	strace s4  }
0x98: {  	_ =	strace $0x8FFFFFFF  }
0x99: {  	s19 =	sld [smem:$0x3FDB];
	_ =	sdelay $0x1  }
0x9a: {  	s5 =	simm.s32 $_scs_section_size  }
0x9b: {  	s6 =	simm.s32 $_size__tile_overlayer_lowered;
	s7 =	simm.s32 $_tile_overlayer_lowered  }
0x9c: {  	s22 =	simm.s32 $0x1BFF;
	s21 =	sshll.u32 s7, $0x1;
	s4 =	sadd.s32 s5, s19  }
0x9d: {  	s8 =	simm.s32 $0x0;
	s20 =	sshll.u32 s6, $0x1;
	s6 =	sadd.s32 s21, s4  }
0x9e: {  	[timem:s8], [sflag:s22] =	dma.local [hbm:s6], s20  }
0x9f: {  	_ =	swait.ge [sflag:s22], s20  }
0xa0: {  	s5 =	ssub.s32 $0x0, s20;
	[sflag:s22] =	ssyncset.done $0x0  }
0xa1: {  	[sflag:s22] =	ssyncadd.s32 s5;
	_ =	sdelay $0x1  }
0xa2: {  	s23 =	simm.s32 $0x1B8B  }
0xa3: {  	_ =	swait.ge [sflag:s23], $0x1  }
0xa4: {  	[sflag:s23] =	ssyncset.done $0x0  }
0xa5: {  	s25 =	simm.s32 $0x1B8E;
	s24 =	sld [smem:$0x3FFE];
	[sflag:s23] =	ssyncadd.s32 $0xFFFFFFFF  }
0xa6: {  	s26 =	simm.s32 $execute0_lowered;
	[smem:$0x3FD2] =	sst s25  }
0xa7: {  	s6 =	sshll.u32 s26, $0x1;
	_ =	strace $0x80000046;
	[dreg:$0x1] =	wrdreg $0xFFFFFFFF  }
0xa8: {  	s28 =	simm.s32 $_size_execute0_lowered;
	s4 =	sadd.s32 s4, s6;
	[dreg:$0x0] =	wrdreg $0x0  }
0xa9: {  	s6 =	sshll.u32 s28, $0x1;
	[dreg:$0x2] =	wrdreg s4  }
0xaa: {  	[dreg:$0x3] =	wrdreg s6  }
0xab: {  	[dreg:$0x4] =	wrdreg $0xC0  }
0xac: {  	_ =	task [dreg:s8], $0x5FFFF  }
0xad: {  	[dreg:$0x1] =	wrdreg $0xFFFFFFFF  }
0xae: {  	[dreg:$0x0] =	wrdreg $0x60  }
0xaf: {  	[dreg:$0x2] =	wrdreg s24  }
0xb0: {  	[dreg:$0x3] =	wrdreg s2  }
0xb1: {  	[dreg:$0x4] =	wrdreg s18  }
0xb2: {  	[dreg:$0x5] =	wrdreg $0x9  }
0xb3: {  	_ =	task.clear_ibuf [dreg:s8], $0x6FFFF;
	_ =	strace $0x90000046  }
0xb4: {  	s29 =	simm.s32 $0x9;
	_ =	strace $0x80000048  }
0xb5: {  	_ =	swait.ge [sflag:s29], $0x1  }
0xb6: {  	[sflag:s29] =	ssyncadd.s32 $0xFFFFFFFF  }
0xb7: {  	_ =	strace $0x90000048  }
0xb8: {  	_ =	sfence  }
0xb9: {  	s30 =	sld [smem:$0x0];
	_ =	sdelay $0x2  }
0xba: {  	s31 =	sshll.u32 s1, $0xD;
	s1 =	sshrl.u32 s1, $0x2  }
0xbb: {  	s3 =	sand.u32 $0x4000, s31;
	s1 =	sadd.s32 s1, s30  }
0xbc: {  	s0 =	sor.u32 s3, s0;
	s1 =	sshll.u32 s1, $0x11  }
0xbd: {  	s0 =	sor.u32 s1, s0  }
0xbe: {  	s0 =	sadd.s32 $0x8F2B, s0  }
0xbf: {  	[sflag:s0] =	ssyncadd.remote.s32 $0x1  }
0xc0: {  	_ =	sfence.sel $0xFFFF  }
0xc1: {  	[dreg:$0x0] =	wrdreg $0xFFFFFFFF;
	(pc) =	sbr.abs _section_cstart, $3  }
0xc2: {  	[dreg:$0x1] =	wrdreg $0xFFFFFFFF  }
0xc3: {  	_ =	task.clear_ibuf [dreg:s8], $0x2FFFF;
	_ =	strace $0x9FFFFFFF  }
0xc4: {  	(tm) =	ssettm $0x7FFFFFFF  }
0xc5: {  	_ =	shalt  }
tec
execute0_lowered:
.L_overlay_start_1:
0x0: {  	(tag) =	ssettag $0x1  }
0x1: {  	s0 =	rddreg [dreg:$0x0]  }
0x2: {  	s1 =	rddreg [dreg:$0x1]  }
0x3: {  	s3 =	rddreg [dreg:$0x2]  }
0x4: {  	s2 =	srdreg.scid;
	s5 =	stileid.u32  }
0x5: {  	s11 =	simm.s32 $0x5480;
	s4 =	sand.u32 $0x1, s2;
	s5 =	sshll.u32 s5, $0x1  }
0x6: {  	s2 =	simm.s32 $0x0;
	s6 =	ssub.s32 $0x2, s4;
	s4 =	sor.u32 s4, s5  }
0x7: {  	s0 =	sadd.s32 $0x400, s0;
	[smem:$0x7FF] =	sst s2;
	s7 =	smul.u32 $0x180, s4  }
0x8: {  	s31 =	sadd.s32 $0x3000, s3;
	_ =	strace $0x80000047;
	[dreg:$0x13] =	wrdreg s0  }
.Ltmp0:
0x9: {  	[dreg:$0x17] =	wrdreg s31;
	s29 =	sadd.s32 s1, s7;
	(pc) =	sbr.rel .LBB2_1-.Ltmp0, $4  }
0xa: {  	v0 =	vlaneseq.u32;
	s26 =	sshrl.u32 s6, $0x1;
	s30 =	sadd.s32 s3, s7;
	[dreg:$0x14] =	wrdreg s29  }
0xb: {  	v3 =	vmul.u32 $0x1800, v0;
	s28 =	ssub.s32 s6, s26;
	s1 =	sadd.s32 $0x3000, s1;
	[dreg:$0x15] =	wrdreg s30  }
0xc: {  	s5 =	simm.s32 $0x1;
	s0 =	smax.u32 s28, $0x1;
	[dreg:$0x16] =	wrdreg s1  }
0xd: {  	v2 =	vimm.s32 $0x1400;
	p0 =	sne.s32 s4, $0x1F;
	v1 =	vadd.s32 $0x800, v3;
	v3 =	vadd.s32 $0x1400, v3;
	[dreg:$0x18] =	wrdreg s0;
	s1 =	simm.s32 $0x0  }
.LBB2_9:
0xe: {  	s1 =	sadd.s32 $0x1, s1;
	s0 =	rddreg [dreg:$0x18]  }
0xf: {  	p1 =	sne.s32 s1, s0  }
.Ltmp1:
0x10: {  	_ = 	snop;
	(pc) =	sbr.rel @!p1 .LBB2_10-.Ltmp1, $1  }
0x11: {  	_ =	sdelay $0x3  }
.LBB2_1:
0x12: {  	[dreg:$0x19] =	wrdreg s1  }
0x13: {  	s0 =	rddreg [dreg:$0x13]  }
0x14: {  	[tilespmem:s2], [sflag:$0x1] =	stream.linear.gather [hbm4b:s0+s2], $0x3C80, $0x38;
	[tilespmem:$0x1D480] =	vst v63  }
0x15: {  	_ =	swait.ge [sflag:s5], $0x3C80  }
0x16: {  	[sflag:s5] =	ssyncset.done $0x0  }
0x17: {  	s31 =	simm.s32 $0x3C80;
	s30 =	rddreg [dreg:$0x14];
	[sflag:s5] =	ssyncadd.s32 $0xFFFFC380  }
0x18: {  	[tilespmem:s31], [sflag:$0x1] =	stream.linear.gather [hbm4b:s30+s2], $0xC00, $0x38;
	[tilespmem:$0x1D480] =	vst v63  }
0x19: {  	_ =	swait.ge [sflag:s5], $0xC00  }
0x1a: {  	[sflag:s5] =	ssyncset.done $0x0  }
0x1b: {  	s28 =	simm.s32 $0x0;
	[sflag:s5] =	ssyncadd.s32 $0xFFFFF400  }
.LBB2_2:
0x1c: {  	s0 =	simm.s32 $0x0  }
0x1d: {  	s29 =	sshll.u32 s28, $0x7;
	s13 =	sand.u32 $0x400, s0  }
0x1e: {  	s12 =	sand.u32 $0x70, s0;
	s18 =	sor.u32 s29, s13  }
0x1f: {  	s0 =	sor.u32 s12, s18  }
0x20: {  	v4 =	vld [tilespmem:s0+$0x3C80];
	_ =	sdelay $0x4  }
0x21: {  	v4 =	vshll.u32 v4, $0x4;
	_ =	sdelay $0x4  }
0x22: {  	v5 =	vld.idx.msk [tilespmem:v4+s2+$0x0], $0xffff  }
0x23: {  	v6 =	vor.u32 $0x1, v4;
	_ =	sdelay $0x3  }
0x24: {  	[tilespmem:s0+$0x5480] =	vst v5  }
0x25: {  	s1 =	sadd.s32 $0x6C80, s29;
	v5 =	vld.idx.msk [tilespmem:v6+s2+$0x0], $0xffff  }
0x26: {  	[dreg:$0x4] =	wrdreg s1;
	v6 =	vor.u32 $0x2, v4  }
0x27: {  	s19 =	rddreg [dreg:$0x4]  }
0x28: {  	s0 =	sadd.s32 s13, s19  }
0x29: {  	s0 =	sadd.s32 s12, s0  }
0x2a: {  	[tilespmem:s0+$0x0] =	vst v5  }
0x2b: {  	s20 =	sadd.s32 $0x8480, s29;
	v5 =	vld.idx.msk [tilespmem:v6+s2+$0x0], $0xffff  }
0x2c: {  	[dreg:$0x5] =	wrdreg s20;
	v6 =	vor.u32 $0x3, v4  }
0x2d: {  	s21 =	rddreg [dreg:$0x5]  }
0x2e: {  	s0 =	sadd.s32 s13, s21  }
0x2f: {  	s0 =	sadd.s32 s12, s0  }
0x30: {  	[tilespmem:s0+$0x0] =	vst v5  }
0x31: {  	s22 =	sadd.s32 $0x9C80, s29;
	v5 =	vld.idx.msk [tilespmem:v6+s2+$0x0], $0xffff  }
0x32: {  	[dreg:$0x6] =	wrdreg s22;
	v6 =	vor.u32 $0x4, v4  }
0x33: {  	s23 =	rddreg [dreg:$0x6]  }
0x34: {  	s0 =	sadd.s32 s13, s23  }
0x35: {  	s0 =	sadd.s32 s12, s0  }
0x36: {  	[tilespmem:s0+$0x0] =	vst v5  }
0x37: {  	s24 =	sadd.s32 $0xB480, s29;
	v5 =	vld.idx.msk [tilespmem:v6+s2+$0x0], $0xffff  }
0x38: {  	[dreg:$0x7] =	wrdreg s24;
	v6 =	vor.u32 $0x5, v4  }
0x39: {  	s25 =	rddreg [dreg:$0x7]  }
0x3a: {  	s0 =	sadd.s32 s13, s25  }
0x3b: {  	s0 =	sadd.s32 s12, s0  }
0x3c: {  	[tilespmem:s0+$0x0] =	vst v5  }
0x3d: {  	s26 =	sadd.s32 $0xCC80, s29;
	v5 =	vld.idx.msk [tilespmem:v6+s2+$0x0], $0xffff  }
0x3e: {  	[dreg:$0x8] =	wrdreg s26;
	v6 =	vor.u32 $0x6, v4  }
0x3f: {  	s3 =	rddreg [dreg:$0x8]  }
0x40: {  	s0 =	sadd.s32 s13, s3  }
0x41: {  	s0 =	sadd.s32 s12, s0  }
0x42: {  	[tilespmem:s0+$0x0] =	vst v5  }
0x43: {  	s4 =	sadd.s32 $0xE480, s29;
	v5 =	vld.idx.msk [tilespmem:v6+s2+$0x0], $0xffff  }
0x44: {  	[dreg:$0x9] =	wrdreg s4;
	v6 =	vor.u32 $0x7, v4  }
0x45: {  	s5 =	rddreg [dreg:$0x9]  }
0x46: {  	s0 =	sadd.s32 s13, s5  }
0x47: {  	s0 =	sadd.s32 s12, s0  }
0x48: {  	[tilespmem:s0+$0x0] =	vst v5  }
0x49: {  	s6 =	sadd.s32 $0xFC80, s29;
	v5 =	vld.idx.msk [tilespmem:v6+s2+$0x0], $0xffff  }
0x4a: {  	[dreg:$0xa] =	wrdreg s6;
	v6 =	vor.u32 $0x8, v4  }
0x4b: {  	s7 =	rddreg [dreg:$0xa]  }
0x4c: {  	s0 =	sadd.s32 s13, s7  }
0x4d: {  	s0 =	sadd.s32 s12, s0  }
0x4e: {  	[tilespmem:s0+$0x0] =	vst v5  }
0x4f: {  	s8 =	sadd.s32 $0x11480, s29;
	v5 =	vld.idx.msk [tilespmem:v6+s2+$0x0], $0xffff  }
0x50: {  	[dreg:$0xb] =	wrdreg s8;
	v6 =	vor.u32 $0x9, v4  }
0x51: {  	s9 =	rddreg [dreg:$0xb]  }
0x52: {  	s0 =	sadd.s32 s13, s9  }
0x53: {  	s0 =	sadd.s32 s12, s0  }
0x54: {  	[tilespmem:s0+$0x0] =	vst v5  }
0x55: {  	s10 =	sadd.s32 $0x12C80, s29;
	v5 =	vld.idx.msk [tilespmem:v6+s2+$0x0], $0xffff  }
0x56: {  	[dreg:$0xc] =	wrdreg s10;
	v6 =	vor.u32 $0xA, v4  }
0x57: {  	s14 =	rddreg [dreg:$0xc]  }
0x58: {  	s0 =	sadd.s32 s13, s14  }
0x59: {  	s0 =	sadd.s32 s12, s0  }
0x5a: {  	[tilespmem:s0+$0x0] =	vst v5  }
0x5b: {  	s15 =	sadd.s32 $0x14480, s29;
	v5 =	vld.idx.msk [tilespmem:v6+s2+$0x0], $0xffff  }
0x5c: {  	[dreg:$0xd] =	wrdreg s15;
	v6 =	vor.u32 $0xB, v4  }
0x5d: {  	s16 =	rddreg [dreg:$0xd]  }
0x5e: {  	s0 =	sadd.s32 s13, s16  }
0x5f: {  	s17 =	sadd.s32 $0x15C80, s29;
	s0 =	sadd.s32 s12, s0  }
0x60: {  	[dreg:$0xe] =	wrdreg s17;
	[tilespmem:s0+$0x0] =	vst v5  }
0x61: {  	s20 =	sadd.s32 $0x1A480, s29;
	s1 =	rddreg [dreg:$0xe];
	v5 =	vld.idx.msk [tilespmem:v6+s2+$0x0], $0xffff  }
0x62: {  	[dreg:$0x11] =	wrdreg s20;
	v6 =	vor.u32 $0xC, v4  }
0x63: {  	s6 =	rddreg [dreg:$0xa]  }
0x64: {  	s4 =	rddreg [dreg:$0x7];
	s1 =	sadd.s32 s13, s1  }
0x65: {  	s15 =	rddreg [dreg:$0x5];
	s22 =	sadd.s32 s12, s1  }
0x66: {  	s26 =	rddreg [dreg:$0x4];
	[tilespmem:s22+$0x0] =	vst v5  }
0x67: {  	s18 =	sadd.s32 $0x17480, s29;
	s17 =	rddreg [dreg:$0x8];
	v5 =	vld.idx.msk [tilespmem:v6+s2+$0x0], $0xffff  }
0x68: {  	[dreg:$0xf] =	wrdreg s18;
	v6 =	vor.u32 $0xD, v4  }
0x69: {  	s23 =	rddreg [dreg:$0xf]  }
0x6a: {  	s20 =	rddreg [dreg:$0x11];
	s1 =	sadd.s32 s13, s23  }
0x6b: {  	s30 =	rddreg [dreg:$0xf];
	s19 =	sadd.s32 $0x18C80, s29;
	s1 =	sadd.s32 s12, s1  }
0x6c: {  	[dreg:$0x10] =	wrdreg s19;
	[tilespmem:s1+$0x0] =	vst v5  }
0x6d: {  	s19 =	rddreg [dreg:$0xd];
	v5 =	vld.idx.msk [tilespmem:v6+s2+$0x0], $0xffff  }
0x6e: {  	s31 =	rddreg [dreg:$0x10];
	v6 =	vor.u32 $0xE, v4  }
0x6f: {  	s21 =	sadd.s32 $0x1BC80, s29;
	s3 =	rddreg [dreg:$0x10]  }
0x70: {  	[dreg:$0x12] =	wrdreg s21;
	s24 =	sadd.s32 s13, s3  }
0x71: {  	s21 =	rddreg [dreg:$0xc];
	s1 =	sadd.s32 s12, s24  }
0x72: {  	s18 =	rddreg [dreg:$0x12];
	[tilespmem:s1+$0x0] =	vst v5  }
0x73: {  	s5 =	rddreg [dreg:$0x12];
	v5 =	vld.idx.msk [tilespmem:v6+s2+$0x0], $0xffff  }
0x74: {  	s8 =	simm.s32 $0x10;
	s7 =	rddreg [dreg:$0x11];
	v4 =	vor.u32 $0xF, v4  }
0x75: {  	s3 =	rddreg [dreg:$0x9];
	s5 =	sadd.s32 s13, s5;
	s25 =	sadd.s32 s13, s7  }
0x76: {  	s7 =	sadd.s32 s12, s25;
	s14 =	sadd.s32 s12, s5;
	s13 =	simm.s32 $0x80  }
0x77: {  	s16 =	simm.s32 $0x20;
	s25 =	sand.u32 $0x400, s13;
	s0 =	rddreg [dreg:$0xe]  }
0x78: {  	s9 =	sor.u32 s29, s25;
	s22 =	rddreg [dreg:$0xb];
	s12 =	sand.u32 $0x70, s8;
	[tilespmem:s7+$0x0] =	vst v5  }
0x79: {  	s8 =	sadd.s32 s25, s15;
	s1 =	rddreg [dreg:$0x6];
	s7 =	sadd.s32 s25, s26;
	v4 =	vld.idx.msk [tilespmem:v4+s2+$0x0], $0xffff  }
.LBB2_3:
0x7a: {  	_ =	sdelay $0x3  }
0x7b: {  	s10 =	sor.u32 s12, s9;
	[tilespmem:s14+$0x0] =	vst v4  }
0x7c: {  	v4 =	vld [tilespmem:s10+$0x3C80];
	_ =	sdelay $0x4  }
0x7d: {  	v4 =	vshll.u32 v4, $0x4;
	_ =	sdelay $0x4  }
0x7e: {  	v5 =	vld.idx.msk [tilespmem:v4+s2+$0x0], $0xffff  }
0x7f: {  	v6 =	vor.u32 $0x1, v4;
	_ =	sdelay $0x3  }
0x80: {  	[tilespmem:s10+$0x5480] =	vst v5  }
0x81: {  	v5 =	vld.idx.msk [tilespmem:v6+s2+$0x0], $0xffff  }
0x82: {  	v6 =	vor.u32 $0x2, v4;
	_ =	sdelay $0x2  }
0x83: {  	s7 =	sadd.s32 s12, s7  }
0x84: {  	[tilespmem:s7+$0x0] =	vst v5  }
0x85: {  	v5 =	vld.idx.msk [tilespmem:v6+s2+$0x0], $0xffff  }
0x86: {  	v6 =	vor.u32 $0x3, v4;
	_ =	sdelay $0x1  }
0x87: {  	s9 =	sadd.s32 s25, s4  }
0x88: {  	s4 =	sadd.s32 s25, s17;
	s17 =	sadd.s32 s25, s20;
	s20 =	sadd.s32 s12, s8  }
0x89: {  	[tilespmem:s20+$0x0] =	vst v5  }
0x8a: {  	v5 =	vld.idx.msk [tilespmem:v6+s2+$0x0], $0xffff  }
0x8b: {  	v6 =	vor.u32 $0x4, v4;
	_ =	sdelay $0x1  }
0x8c: {  	s1 =	sadd.s32 s25, s1  }
0x8d: {  	s1 =	sadd.s32 s12, s1  }
0x8e: {  	[tilespmem:s1+$0x0] =	vst v5  }
0x8f: {  	v5 =	vld.idx.msk [tilespmem:v6+s2+$0x0], $0xffff  }
0x90: {  	s3 =	sadd.s32 s25, s3;
	v6 =	vor.u32 $0x5, v4  }
0x91: {  	s6 =	sadd.s32 s25, s6;
	s26 =	sadd.s32 s25, s22;
	s24 =	sadd.s32 s25, s21  }
0x92: {  	s23 =	sadd.s32 s25, s19;
	s22 =	sadd.s32 s25, s0;
	s21 =	sadd.s32 s25, s30  }
0x93: {  	s19 =	sadd.s32 s25, s31;
	s18 =	sadd.s32 s25, s18;
	s25 =	sadd.s32 s12, s9  }
0x94: {  	[tilespmem:s25+$0x0] =	vst v5  }
0x95: {  	v5 =	vld.idx.msk [tilespmem:v6+s2+$0x0], $0xffff  }
0x96: {  	v6 =	vor.u32 $0x6, v4;
	_ =	sdelay $0x2  }
0x97: {  	s7 =	sadd.s32 s12, s4  }
0x98: {  	[tilespmem:s7+$0x0] =	vst v5  }
0x99: {  	v5 =	vld.idx.msk [tilespmem:v6+s2+$0x0], $0xffff  }
0x9a: {  	v6 =	vor.u32 $0x7, v4;
	_ =	sdelay $0x2  }
0x9b: {  	s8 =	sadd.s32 s12, s3  }
0x9c: {  	[tilespmem:s8+$0x0] =	vst v5  }
0x9d: {  	v5 =	vld.idx.msk [tilespmem:v6+s2+$0x0], $0xffff  }
0x9e: {  	v6 =	vor.u32 $0x8, v4;
	_ =	sdelay $0x2  }
0x9f: {  	s9 =	sadd.s32 s12, s6  }
0xa0: {  	[tilespmem:s9+$0x0] =	vst v5  }
0xa1: {  	v5 =	vld.idx.msk [tilespmem:v6+s2+$0x0], $0xffff  }
0xa2: {  	v6 =	vor.u32 $0x9, v4;
	_ =	sdelay $0x2  }
0xa3: {  	s10 =	sadd.s32 s12, s26  }
0xa4: {  	[tilespmem:s10+$0x0] =	vst v5  }
0xa5: {  	v5 =	vld.idx.msk [tilespmem:v6+s2+$0x0], $0xffff  }
0xa6: {  	v6 =	vor.u32 $0xA, v4;
	_ =	sdelay $0x1  }
0xa7: {  	s15 =	smov.u32 s16  }
0xa8: {  	s5 =	sadd.s32 $0x10, s16;
	p1 =	sne.s32 s16, $0xF0;
	s16 =	sadd.s32 s12, s24  }
0xa9: {  	[tilespmem:s16+$0x0] =	vst v5  }
0xaa: {  	v5 =	vld.idx.msk [tilespmem:v6+s2+$0x0], $0xffff  }
0xab: {  	v6 =	vor.u32 $0xB, v4;
	_ =	sdelay $0x2  }
0xac: {  	s14 =	sadd.s32 s12, s18;
	s18 =	sadd.s32 s12, s23  }
0xad: {  	[tilespmem:s18+$0x0] =	vst v5  }
0xae: {  	v5 =	vld.idx.msk [tilespmem:v6+s2+$0x0], $0xffff  }
0xaf: {  	v6 =	vor.u32 $0xC, v4;
	_ =	sdelay $0x2  }
0xb0: {  	s20 =	sadd.s32 s12, s22  }
0xb1: {  	[tilespmem:s20+$0x0] =	vst v5  }
0xb2: {  	v5 =	vld.idx.msk [tilespmem:v6+s2+$0x0], $0xffff  }
0xb3: {  	v6 =	vor.u32 $0xD, v4;
	_ =	sdelay $0x2  }
0xb4: {  	s0 =	rddreg [dreg:$0xe];
	s21 =	sadd.s32 s12, s21  }
0xb5: {  	s30 =	rddreg [dreg:$0xf];
	[tilespmem:s21+$0x0] =	vst v5  }
0xb6: {  	s31 =	rddreg [dreg:$0x10];
	v5 =	vld.idx.msk [tilespmem:v6+s2+$0x0], $0xffff  }
0xb7: {  	s6 =	rddreg [dreg:$0xa];
	v6 =	vor.u32 $0xE, v4  }
0xb8: {  	s3 =	rddreg [dreg:$0x9]  }
0xb9: {  	s24 =	rddreg [dreg:$0x5]  }
0xba: {  	s23 =	sadd.s32 s12, s17;
	s17 =	rddreg [dreg:$0x8];
	s22 =	sadd.s32 s12, s19  }
0xbb: {  	s26 =	rddreg [dreg:$0x4];
	[tilespmem:s22+$0x0] =	vst v5  }
0xbc: {  	s4 =	rddreg [dreg:$0x7];
	v5 =	vld.idx.msk [tilespmem:v6+s2+$0x0], $0xffff  }
0xbd: {  	s19 =	rddreg [dreg:$0xd];
	v4 =	vor.u32 $0xF, v4  }
.Ltmp2:
0xbe: {  	s1 =	rddreg [dreg:$0x6];
	(pc) =	sbr.rel @p1 .LBB2_3-.Ltmp2, $4  }
0xbf: {  	s13 =	sadd.s32 $0x80, s13;
	s18 =	rddreg [dreg:$0x12]  }
0xc0: {  	s12 =	sand.u32 $0x70, s15;
	s25 =	sand.u32 $0x400, s13;
	s20 =	rddreg [dreg:$0x11]  }
0xc1: {  	s7 =	sadd.s32 s25, s26;
	s8 =	sadd.s32 s25, s24;
	s21 =	rddreg [dreg:$0xc];
	[tilespmem:s23+$0x0] =	vst v5  }
0xc2: {  	s9 =	sor.u32 s29, s25;
	s16 =	smov.u32 s5;
	s22 =	rddreg [dreg:$0xb];
	v4 =	vld.idx.msk [tilespmem:v4+s2+$0x0], $0xffff  }
0xc3: {  	_ =	sdelay $0x3  }
0xc4: {  	s5 =	sor.u32 s12, s9;
	[tilespmem:s14+$0x0] =	vst v4  }
0xc5: {  	v4 =	vld [tilespmem:s5+$0x3C80];
	_ =	sdelay $0x4  }
0xc6: {  	v4 =	vshll.u32 v4, $0x4;
	_ =	sdelay $0x4  }
0xc7: {  	v5 =	vld.idx.msk [tilespmem:v4+s2+$0x0], $0xffff  }
0xc8: {  	v6 =	vor.u32 $0x1, v4;
	_ =	sdelay $0x3  }
0xc9: {  	[tilespmem:s5+$0x5480] =	vst v5  }
0xca: {  	v5 =	vld.idx.msk [tilespmem:v6+s2+$0x0], $0xffff  }
0xcb: {  	v50 =	vor.u32 $0x2, v4;
	_ =	sdelay $0x2  }
0xcc: {  	s9 =	sadd.s32 s12, s7  }
0xcd: {  	[tilespmem:s9+$0x0] =	vst v5  }
0xce: {  	v5 =	vld.idx.msk [tilespmem:v50+s2+$0x0], $0xffff  }
0xcf: {  	v51 =	vor.u32 $0x3, v4;
	_ =	sdelay $0x2  }
0xd0: {  	s10 =	sadd.s32 s12, s8  }
0xd1: {  	[tilespmem:s10+$0x0] =	vst v5  }
0xd2: {  	v5 =	vld.idx.msk [tilespmem:v51+s2+$0x0], $0xffff  }
0xd3: {  	v52 =	vor.u32 $0x4, v4;
	_ =	sdelay $0x1  }
0xd4: {  	s1 =	sadd.s32 s25, s1  }
0xd5: {  	s1 =	sadd.s32 s12, s1  }
0xd6: {  	[tilespmem:s1+$0x0] =	vst v5  }
0xd7: {  	v5 =	vld.idx.msk [tilespmem:v52+s2+$0x0], $0xffff  }
0xd8: {  	v53 =	vor.u32 $0x5, v4;
	_ =	sdelay $0x1  }
0xd9: {  	s13 =	sadd.s32 s25, s4  }
0xda: {  	s1 =	sadd.s32 s12, s13  }
0xdb: {  	[tilespmem:s1+$0x0] =	vst v5  }
0xdc: {  	v5 =	vld.idx.msk [tilespmem:v53+s2+$0x0], $0xffff  }
0xdd: {  	v54 =	vor.u32 $0x6, v4;
	_ =	sdelay $0x1  }
0xde: {  	s14 =	sadd.s32 s25, s17  }
0xdf: {  	s1 =	sadd.s32 s12, s14  }
0xe0: {  	[tilespmem:s1+$0x0] =	vst v5  }
0xe1: {  	v5 =	vld.idx.msk [tilespmem:v54+s2+$0x0], $0xffff  }
0xe2: {  	v55 =	vor.u32 $0x7, v4;
	_ =	sdelay $0x1  }
0xe3: {  	s15 =	sadd.s32 s25, s3  }
0xe4: {  	s1 =	sadd.s32 s12, s15  }
0xe5: {  	[tilespmem:s1+$0x0] =	vst v5  }
0xe6: {  	v5 =	vld.idx.msk [tilespmem:v55+s2+$0x0], $0xffff  }
0xe7: {  	v56 =	vor.u32 $0x8, v4;
	_ =	sdelay $0x1  }
0xe8: {  	s16 =	sadd.s32 s25, s6  }
0xe9: {  	s1 =	sadd.s32 s12, s16  }
0xea: {  	[tilespmem:s1+$0x0] =	vst v5  }
0xeb: {  	v5 =	vld.idx.msk [tilespmem:v56+s2+$0x0], $0xffff  }
0xec: {  	v57 =	vor.u32 $0x9, v4;
	_ =	sdelay $0x1  }
0xed: {  	s17 =	sadd.s32 s25, s22  }
0xee: {  	s1 =	sadd.s32 s12, s17  }
0xef: {  	[tilespmem:s1+$0x0] =	vst v5  }
0xf0: {  	v5 =	vld.idx.msk [tilespmem:v57+s2+$0x0], $0xffff  }
0xf1: {  	v58 =	vor.u32 $0xA, v4;
	_ =	sdelay $0x1  }
0xf2: {  	s22 =	sadd.s32 s25, s21  }
0xf3: {  	s1 =	sadd.s32 s12, s22  }
0xf4: {  	[tilespmem:s1+$0x0] =	vst v5  }
0xf5: {  	v5 =	vld.idx.msk [tilespmem:v58+s2+$0x0], $0xffff  }
0xf6: {  	v59 =	vor.u32 $0xB, v4;
	_ =	sdelay $0x1  }
0xf7: {  	s23 =	sadd.s32 s25, s19  }
0xf8: {  	s1 =	sadd.s32 s12, s23  }
0xf9: {  	[tilespmem:s1+$0x0] =	vst v5  }
0xfa: {  	v5 =	vld.idx.msk [tilespmem:v59+s2+$0x0], $0xffff  }
0xfb: {  	v60 =	vor.u32 $0xC, v4;
	_ =	sdelay $0x1  }
0xfc: {  	s0 =	sadd.s32 s25, s0  }
0xfd: {  	s0 =	sadd.s32 s12, s0  }
0xfe: {  	[tilespmem:s0+$0x0] =	vst v5  }
0xff: {  	v5 =	vld.idx.msk [tilespmem:v60+s2+$0x0], $0xffff  }
0x100: {  	v61 =	vor.u32 $0xD, v4;
	_ =	sdelay $0x1  }
0x101: {  	s24 =	sadd.s32 s25, s30  }
0x102: {  	s0 =	sadd.s32 s12, s24  }
0x103: {  	[tilespmem:s0+$0x0] =	vst v5  }
0x104: {  	v5 =	vld.idx.msk [tilespmem:v61+s2+$0x0], $0xffff  }
0x105: {  	v62 =	vor.u32 $0xE, v4;
	_ =	sdelay $0x1  }
0x106: {  	s26 =	sadd.s32 s25, s31  }
0x107: {  	s0 =	sadd.s32 s12, s26  }
0x108: {  	[tilespmem:s0+$0x0] =	vst v5  }
0x109: {  	v5 =	vld.idx.msk [tilespmem:v62+s2+$0x0], $0xffff  }
0x10a: {  	v4 =	vor.u32 $0xF, v4  }
0x10b: {  	v63 =	vmov s28  }
0x10c: {  	s29 =	sadd.s32 s25, s20;
	v6 =	vshll.u32 v63, $0x7  }
0x10d: {  	v6 =	vand.u32 $0x380, v6;
	s0 =	sadd.s32 s12, s29  }
0x10e: {  	[tilespmem:s0+$0x0] =	vst v5;
	v5 =	vbroadcast v6, $0x0  }
0x10f: {  	v4 =	vld.idx.msk [tilespmem:v4+s2+$0x0], $0xffff  }
0x110: {  	v6 =	vor.u32 $0x800, v5;
	_ =	sdelay $0x1  }
0x111: {  	s30 =	sadd.s32 s25, s18  }
0x112: {  	s0 =	sadd.s32 s12, s30  }
0x113: {  	s31 =	simm.s32 $0x3C80;
	[tilespmem:s0+$0x0] =	vst v4  }
0x114: {  	v4 =	vld.idx.msk [tilespmem:v6+s31+$0x0], $0xffff;
	_ =	sdelay $0x4  }
0x115: {  	v4 =	vshll.u32 v4, $0x4  }
0x116: {  	v4 =	vor.u32 v0, v4;
	_ =	sdelay $0x3  }
0x117: {  	s28 =	sadd.s32 $0x1, s28  }
0x118: {  	p1 =	sne.s32 s28, $0x8;
	v5 =	vor.u32 v1, v5;
	v4 =	vld.idx.msk [tilespmem:v4+s2+$0x0], $0xffff  }
.Ltmp3:
0x119: {  	_ = 	snop;
	(pc) =	sbr.rel @p1 .LBB2_2-.Ltmp3, $2  }
0x11a: {  	_ =	sdelay $0x2  }
0x11b: {  	[tilespmem:v5+s11+$0x0] =	vst.idx.msk $0xffff, v4  }
0x11c: {  	s1 =	rddreg [dreg:$0x15]  }
0x11d: {  	[hbm4b:s1+s2] =	stream.linear.scatter [tilespmem:s11], [sflag:$0x1], $0xC00, $0x38;
	[tilespmem:$0x1D480] =	vst v63  }
0x11e: {  	s3 =	simm.s32 $0x6C80;
	s0 =	sadd.s32 $0x3180, s1  }
0x11f: {  	[hbm4b:s0+s2] =	stream.linear.scatter [tilespmem:s3], [sflag:$0x1], $0xC00, $0x38;
	[tilespmem:$0x1D480] =	vst v63  }
0x120: {  	s31 =	simm.s32 $0x8480;
	s30 =	sadd.s32 $0x6300, s1  }
0x121: {  	[hbm4b:s30+s2] =	stream.linear.scatter [tilespmem:s31], [sflag:$0x1], $0xC00, $0x38;
	[tilespmem:$0x1D480] =	vst v63  }
0x122: {  	s5 =	simm.s32 $0x9C80;
	s4 =	sadd.s32 $0x9480, s1  }
0x123: {  	[hbm4b:s4+s2] =	stream.linear.scatter [tilespmem:s5], [sflag:$0x1], $0xC00, $0x38;
	[tilespmem:$0x1D480] =	vst v63  }
0x124: {  	s7 =	simm.s32 $0xB480;
	s6 =	sadd.s32 $0xC600, s1  }
0x125: {  	[hbm4b:s6+s2] =	stream.linear.scatter [tilespmem:s7], [sflag:$0x1], $0xC00, $0x38;
	[tilespmem:$0x1D480] =	vst v63  }
0x126: {  	s9 =	simm.s32 $0xCC80;
	s8 =	sadd.s32 $0xF780, s1  }
0x127: {  	[hbm4b:s8+s2] =	stream.linear.scatter [tilespmem:s9], [sflag:$0x1], $0xC00, $0x38;
	[tilespmem:$0x1D480] =	vst v63  }
0x128: {  	s12 =	simm.s32 $0xE480;
	s10 =	sadd.s32 $0x12900, s1  }
0x129: {  	[hbm4b:s10+s2] =	stream.linear.scatter [tilespmem:s12], [sflag:$0x1], $0xC00, $0x38;
	[tilespmem:$0x1D480] =	vst v63  }
0x12a: {  	s14 =	simm.s32 $0xFC80;
	s13 =	sadd.s32 $0x15A80, s1  }
0x12b: {  	[hbm4b:s13+s2] =	stream.linear.scatter [tilespmem:s14], [sflag:$0x1], $0xC00, $0x38;
	[tilespmem:$0x1D480] =	vst v63  }
0x12c: {  	s16 =	simm.s32 $0x11480;
	s15 =	sadd.s32 $0x18C00, s1  }
0x12d: {  	[hbm4b:s15+s2] =	stream.linear.scatter [tilespmem:s16], [sflag:$0x1], $0xC00, $0x38;
	[tilespmem:$0x1D480] =	vst v63  }
0x12e: {  	s18 =	simm.s32 $0x12C80;
	s17 =	sadd.s32 $0x1BD80, s1  }
0x12f: {  	[hbm4b:s17+s2] =	stream.linear.scatter [tilespmem:s18], [sflag:$0x1], $0xC00, $0x38;
	[tilespmem:$0x1D480] =	vst v63  }
0x130: {  	s20 =	simm.s32 $0x14480;
	s19 =	sadd.s32 $0x1EF00, s1  }
0x131: {  	[hbm4b:s19+s2] =	stream.linear.scatter [tilespmem:s20], [sflag:$0x1], $0xC00, $0x38;
	[tilespmem:$0x1D480] =	vst v63  }
0x132: {  	s22 =	simm.s32 $0x15C80;
	s21 =	sadd.s32 $0x22080, s1  }
0x133: {  	[hbm4b:s21+s2] =	stream.linear.scatter [tilespmem:s22], [sflag:$0x1], $0xC00, $0x38;
	[tilespmem:$0x1D480] =	vst v63  }
0x134: {  	s24 =	simm.s32 $0x17480;
	s23 =	sadd.s32 $0x25200, s1  }
0x135: {  	[hbm4b:s23+s2] =	stream.linear.scatter [tilespmem:s24], [sflag:$0x1], $0xC00, $0x38;
	[tilespmem:$0x1D480] =	vst v63  }
0x136: {  	s26 =	simm.s32 $0x18C80;
	s25 =	sadd.s32 $0x28380, s1  }
0x137: {  	[hbm4b:s25+s2] =	stream.linear.scatter [tilespmem:s26], [sflag:$0x1], $0xC00, $0x38;
	[tilespmem:$0x1D480] =	vst v63  }
0x138: {  	s29 =	simm.s32 $0x1A480;
	s28 =	sadd.s32 $0x2B500, s1;
	s30 =	sadd.s32 $0x2E680, s1  }
0x139: {  	[hbm4b:s28+s2] =	stream.linear.scatter [tilespmem:s29], [sflag:$0x1], $0xC00, $0x38;
	[tilespmem:$0x1D480] =	vst v63  }
.Ltmp4:
0x13a: {  	s31 =	simm.s32 $0x1BC80;
	s5 =	simm.s32 $0x1;
	(pc) =	sbr.rel @p0 .LBB2_9-.Ltmp4, $4  }
0x13b: {  	[hbm4b:s30+s2] =	stream.linear.scatter [tilespmem:s31], [sflag:$0x1], $0xC00, $0x38;
	[tilespmem:$0x1D480] =	vst v63  }
0x13c: {  	_ =	swait.ge [sflag:s5], $0xC000  }
0x13d: {  	[sflag:s5] =	ssyncset.done $0x0  }
0x13e: {  	s1 =	rddreg [dreg:$0x19];
	[sflag:s5] =	ssyncadd.s32 $0xFFFF4000  }
0x13f: {  	s0 =	simm.s32 $0x0;
	s1 =	rddreg [dreg:$0x16];
	s3 =	simm.s32 $0x4880  }
0x140: {  	[tilespmem:s3], [sflag:$0x1] =	stream.linear.gather [hbm4b:s1+s0], $0xC00, $0x38;
	[tilespmem:$0x1D480] =	vst v63  }
0x141: {  	_ =	swait.ge [sflag:s5], $0xC00  }
0x142: {  	s30 =	sand.u32 $0x70, s0;
	s0 =	sand.u32 $0x400, s0;
	[sflag:s5] =	ssyncset.done $0x0  }
0x143: {  	s0 =	sor.u32 s30, s0;
	[sflag:s5] =	ssyncadd.s32 $0xFFFFF400  }
0x144: {  	v4 =	vld [tilespmem:s0+$0x4880];
	_ =	sdelay $0x4  }
0x145: {  	v4 =	vshll.u32 v4, $0x4;
	_ =	sdelay $0x4  }
0x146: {  	v5 =	vld.idx.msk [tilespmem:v4+s2+$0x0], $0xffff  }
0x147: {  	v6 =	vor.u32 $0x1, v4;
	_ =	sdelay $0x3  }
0x148: {  	[tilespmem:s0+$0x6080] =	vst v5  }
0x149: {  	v5 =	vld.idx.msk [tilespmem:v6+s2+$0x0], $0xffff  }
0x14a: {  	v6 =	vor.u32 $0x2, v4;
	_ =	sdelay $0x3  }
0x14b: {  	[tilespmem:s0+$0x7880] =	vst v5  }
0x14c: {  	v5 =	vld.idx.msk [tilespmem:v6+s2+$0x0], $0xffff  }
0x14d: {  	v6 =	vor.u32 $0x3, v4;
	_ =	sdelay $0x3  }
0x14e: {  	[tilespmem:s0+$0x9080] =	vst v5  }
0x14f: {  	v5 =	vld.idx.msk [tilespmem:v6+s2+$0x0], $0xffff  }
0x150: {  	v6 =	vor.u32 $0x4, v4;
	_ =	sdelay $0x3  }
0x151: {  	[tilespmem:s0+$0xA880] =	vst v5  }
0x152: {  	v5 =	vld.idx.msk [tilespmem:v6+s2+$0x0], $0xffff  }
0x153: {  	v6 =	vor.u32 $0x5, v4;
	_ =	sdelay $0x3  }
0x154: {  	[tilespmem:s0+$0xC080] =	vst v5  }
0x155: {  	v5 =	vld.idx.msk [tilespmem:v6+s2+$0x0], $0xffff  }
0x156: {  	v6 =	vor.u32 $0x6, v4;
	_ =	sdelay $0x3  }
0x157: {  	[tilespmem:s0+$0xD880] =	vst v5  }
0x158: {  	v5 =	vld.idx.msk [tilespmem:v6+s2+$0x0], $0xffff  }
0x159: {  	v6 =	vor.u32 $0x7, v4;
	_ =	sdelay $0x3  }
0x15a: {  	[tilespmem:s0+$0xF080] =	vst v5  }
0x15b: {  	v5 =	vld.idx.msk [tilespmem:v6+s2+$0x0], $0xffff  }
0x15c: {  	v6 =	vor.u32 $0x8, v4;
	_ =	sdelay $0x3  }
0x15d: {  	[tilespmem:s0+$0x10880] =	vst v5  }
0x15e: {  	v5 =	vld.idx.msk [tilespmem:v6+s2+$0x0], $0xffff  }
0x15f: {  	v6 =	vor.u32 $0x9, v4;
	_ =	sdelay $0x3  }
0x160: {  	[tilespmem:s0+$0x12080] =	vst v5  }
0x161: {  	v5 =	vld.idx.msk [tilespmem:v6+s2+$0x0], $0xffff  }
0x162: {  	v6 =	vor.u32 $0xA, v4;
	_ =	sdelay $0x3  }
0x163: {  	[tilespmem:s0+$0x13880] =	vst v5  }
0x164: {  	v5 =	vld.idx.msk [tilespmem:v6+s2+$0x0], $0xffff  }
0x165: {  	v6 =	vor.u32 $0xB, v4;
	_ =	sdelay $0x3  }
0x166: {  	[tilespmem:s0+$0x15080] =	vst v5  }
0x167: {  	v5 =	vld.idx.msk [tilespmem:v6+s2+$0x0], $0xffff  }
0x168: {  	v6 =	vor.u32 $0xC, v4;
	_ =	sdelay $0x3  }
0x169: {  	[tilespmem:s0+$0x16880] =	vst v5  }
0x16a: {  	v5 =	vld.idx.msk [tilespmem:v6+s2+$0x0], $0xffff  }
0x16b: {  	v6 =	vor.u32 $0xD, v4;
	_ =	sdelay $0x3  }
0x16c: {  	[tilespmem:s0+$0x18080] =	vst v5  }
0x16d: {  	v5 =	vld.idx.msk [tilespmem:v6+s2+$0x0], $0xffff  }
0x16e: {  	v6 =	vor.u32 $0xE, v4;
	_ =	sdelay $0x3  }
0x16f: {  	[tilespmem:s0+$0x19880] =	vst v5  }
0x170: {  	s31 =	simm.s32 $0x10;
	s12 =	simm.s32 $0x80;
	v5 =	vld.idx.msk [tilespmem:v6+s2+$0x0], $0xffff  }
0x171: {  	s13 =	simm.s32 $0x20;
	s1 =	sand.u32 $0x70, s31;
	s3 =	sand.u32 $0x400, s12;
	v4 =	vor.u32 $0xF, v4  }
.LBB2_7:
0x172: {  	p1 =	sne.s32 s13, $0xF0;
	s1 =	sor.u32 s1, s3  }
0x173: {  	v6 =	vld [tilespmem:s1+$0x4880];
	_ =	sdelay $0x1  }
0x174: {  	[tilespmem:s0+$0x1B080] =	vst v5  }
0x175: {  	v5 =	vld.idx.msk [tilespmem:v4+s2+$0x0], $0xffff;
	_ =	sdelay $0x1  }
0x176: {  	v4 =	vshll.u32 v6, $0x4;
	_ =	sdelay $0x3  }
0x177: {  	[tilespmem:s0+$0x1C880] =	vst v5;
	s0 =	smov.u32 s1  }
0x178: {  	v5 =	vld.idx.msk [tilespmem:v4+s2+$0x0], $0xffff;
	_ =	sdelay $0x1  }
0x179: {  	v6 =	vor.u32 $0x1, v4;
	_ =	sdelay $0x3  }
0x17a: {  	[tilespmem:s0+$0x6080] =	vst v5  }
0x17b: {  	v5 =	vld.idx.msk [tilespmem:v6+s2+$0x0], $0xffff;
	_ =	sdelay $0x1  }
0x17c: {  	v6 =	vor.u32 $0x2, v4;
	_ =	sdelay $0x3  }
0x17d: {  	[tilespmem:s0+$0x7880] =	vst v5  }
0x17e: {  	v5 =	vld.idx.msk [tilespmem:v6+s2+$0x0], $0xffff;
	_ =	sdelay $0x1  }
0x17f: {  	v6 =	vor.u32 $0x3, v4;
	_ =	sdelay $0x3  }
0x180: {  	[tilespmem:s0+$0x9080] =	vst v5  }
0x181: {  	v5 =	vld.idx.msk [tilespmem:v6+s2+$0x0], $0xffff;
	_ =	sdelay $0x1  }
0x182: {  	v6 =	vor.u32 $0x4, v4;
	_ =	sdelay $0x3  }
0x183: {  	[tilespmem:s0+$0xA880] =	vst v5  }
0x184: {  	v5 =	vld.idx.msk [tilespmem:v6+s2+$0x0], $0xffff;
	_ =	sdelay $0x1  }
0x185: {  	v6 =	vor.u32 $0x5, v4;
	_ =	sdelay $0x3  }
0x186: {  	[tilespmem:s0+$0xC080] =	vst v5  }
0x187: {  	v5 =	vld.idx.msk [tilespmem:v6+s2+$0x0], $0xffff;
	_ =	sdelay $0x1  }
0x188: {  	v6 =	vor.u32 $0x6, v4;
	_ =	sdelay $0x3  }
0x189: {  	[tilespmem:s0+$0xD880] =	vst v5  }
0x18a: {  	v5 =	vld.idx.msk [tilespmem:v6+s2+$0x0], $0xffff;
	_ =	sdelay $0x1  }
0x18b: {  	v6 =	vor.u32 $0x7, v4;
	_ =	sdelay $0x3  }
0x18c: {  	[tilespmem:s0+$0xF080] =	vst v5  }
0x18d: {  	v5 =	vld.idx.msk [tilespmem:v6+s2+$0x0], $0xffff;
	_ =	sdelay $0x1  }
0x18e: {  	v6 =	vor.u32 $0x8, v4;
	_ =	sdelay $0x3  }
0x18f: {  	[tilespmem:s0+$0x10880] =	vst v5  }
0x190: {  	v5 =	vld.idx.msk [tilespmem:v6+s2+$0x0], $0xffff;
	_ =	sdelay $0x1  }
0x191: {  	v6 =	vor.u32 $0x9, v4;
	_ =	sdelay $0x3  }
0x192: {  	[tilespmem:s0+$0x12080] =	vst v5  }
0x193: {  	v5 =	vld.idx.msk [tilespmem:v6+s2+$0x0], $0xffff;
	_ =	sdelay $0x1  }
0x194: {  	v6 =	vor.u32 $0xA, v4;
	_ =	sdelay $0x3  }
0x195: {  	[tilespmem:s0+$0x13880] =	vst v5  }
0x196: {  	v5 =	vld.idx.msk [tilespmem:v6+s2+$0x0], $0xffff;
	_ =	sdelay $0x1  }
0x197: {  	v6 =	vor.u32 $0xB, v4;
	_ =	sdelay $0x3  }
0x198: {  	[tilespmem:s0+$0x15080] =	vst v5  }
0x199: {  	v5 =	vld.idx.msk [tilespmem:v6+s2+$0x0], $0xffff;
	_ =	sdelay $0x1  }
0x19a: {  	v6 =	vor.u32 $0xC, v4;
	_ =	sdelay $0x3  }
0x19b: {  	[tilespmem:s0+$0x16880] =	vst v5  }
0x19c: {  	v5 =	vld.idx.msk [tilespmem:v6+s2+$0x0], $0xffff;
	_ =	sdelay $0x1  }
0x19d: {  	v6 =	vor.u32 $0xD, v4;
	_ =	sdelay $0x3  }
0x19e: {  	[tilespmem:s0+$0x18080] =	vst v5  }
0x19f: {  	v5 =	vld.idx.msk [tilespmem:v6+s2+$0x0], $0xffff;
	_ =	sdelay $0x1  }
0x1a0: {  	v6 =	vor.u32 $0xE, v4;
	_ =	sdelay $0x2  }
.Ltmp5:
0x1a1: {  	(pc) =	sbr.rel @p1 .LBB2_7-.Ltmp5, $4  }
0x1a2: {  	[tilespmem:s0+$0x19880] =	vst v5  }
0x1a3: {  	v5 =	vld.idx.msk [tilespmem:v6+s2+$0x0], $0xffff  }
0x1a4: {  	s12 =	sadd.s32 $0x80, s12  }
0x1a5: {  	s3 =	sand.u32 $0x400, s12;
	s1 =	sand.u32 $0x70, s13;
	s13 =	sadd.s32 $0x10, s13;
	v4 =	vor.u32 $0xF, v4  }
0x1a6: {  	s1 =	sor.u32 s1, s3  }
0x1a7: {  	v6 =	vld [tilespmem:s1+$0x4880];
	_ =	sdelay $0x2  }
0x1a8: {  	[tilespmem:s0+$0x1B080] =	vst v5  }
0x1a9: {  	v4 =	vld.idx.msk [tilespmem:v4+s2+$0x0], $0xffff  }
0x1aa: {  	v5 =	vshll.u32 v6, $0x4;
	_ =	sdelay $0x3  }
0x1ab: {  	[tilespmem:s0+$0x1C880] =	vst v4  }
0x1ac: {  	v4 =	vld.idx.msk [tilespmem:v5+s2+$0x0], $0xffff  }
0x1ad: {  	v6 =	vor.u32 $0x1, v5;
	_ =	sdelay $0x3  }
0x1ae: {  	[tilespmem:s1+$0x6080] =	vst v4  }
0x1af: {  	v4 =	vld.idx.msk [tilespmem:v6+s2+$0x0], $0xffff  }
0x1b0: {  	v51 =	vor.u32 $0x2, v5;
	_ =	sdelay $0x3  }
0x1b1: {  	[tilespmem:s1+$0x7880] =	vst v4  }
0x1b2: {  	v4 =	vld.idx.msk [tilespmem:v51+s2+$0x0], $0xffff  }
0x1b3: {  	v52 =	vor.u32 $0x3, v5;
	_ =	sdelay $0x3  }
0x1b4: {  	[tilespmem:s1+$0x9080] =	vst v4  }
0x1b5: {  	v4 =	vld.idx.msk [tilespmem:v52+s2+$0x0], $0xffff  }
0x1b6: {  	v53 =	vor.u32 $0x4, v5;
	_ =	sdelay $0x3  }
0x1b7: {  	[tilespmem:s1+$0xA880] =	vst v4  }
0x1b8: {  	v4 =	vld.idx.msk [tilespmem:v53+s2+$0x0], $0xffff  }
0x1b9: {  	v54 =	vor.u32 $0x5, v5;
	_ =	sdelay $0x3  }
0x1ba: {  	[tilespmem:s1+$0xC080] =	vst v4  }
0x1bb: {  	v4 =	vld.idx.msk [tilespmem:v54+s2+$0x0], $0xffff  }
0x1bc: {  	v55 =	vor.u32 $0x6, v5;
	_ =	sdelay $0x3  }
0x1bd: {  	[tilespmem:s1+$0xD880] =	vst v4  }
0x1be: {  	v4 =	vld.idx.msk [tilespmem:v55+s2+$0x0], $0xffff  }
0x1bf: {  	v56 =	vor.u32 $0x7, v5;
	_ =	sdelay $0x3  }
0x1c0: {  	[tilespmem:s1+$0xF080] =	vst v4  }
0x1c1: {  	v4 =	vld.idx.msk [tilespmem:v56+s2+$0x0], $0xffff  }
0x1c2: {  	v57 =	vor.u32 $0x8, v5;
	_ =	sdelay $0x3  }
0x1c3: {  	[tilespmem:s1+$0x10880] =	vst v4  }
0x1c4: {  	v4 =	vld.idx.msk [tilespmem:v57+s2+$0x0], $0xffff  }
0x1c5: {  	v58 =	vor.u32 $0x9, v5;
	_ =	sdelay $0x3  }
0x1c6: {  	[tilespmem:s1+$0x12080] =	vst v4  }
0x1c7: {  	v4 =	vld.idx.msk [tilespmem:v58+s2+$0x0], $0xffff  }
0x1c8: {  	v59 =	vor.u32 $0xA, v5;
	_ =	sdelay $0x3  }
0x1c9: {  	[tilespmem:s1+$0x13880] =	vst v4  }
0x1ca: {  	v4 =	vld.idx.msk [tilespmem:v59+s2+$0x0], $0xffff  }
0x1cb: {  	v60 =	vor.u32 $0xB, v5;
	_ =	sdelay $0x3  }
0x1cc: {  	[tilespmem:s1+$0x15080] =	vst v4  }
0x1cd: {  	v4 =	vld.idx.msk [tilespmem:v60+s2+$0x0], $0xffff  }
0x1ce: {  	v61 =	vor.u32 $0xC, v5;
	_ =	sdelay $0x3  }
0x1cf: {  	[tilespmem:s1+$0x16880] =	vst v4  }
0x1d0: {  	v4 =	vld.idx.msk [tilespmem:v61+s2+$0x0], $0xffff  }
0x1d1: {  	v62 =	vor.u32 $0xD, v5;
	_ =	sdelay $0x3  }
0x1d2: {  	[tilespmem:s1+$0x18080] =	vst v4  }
0x1d3: {  	v4 =	vld.idx.msk [tilespmem:v62+s2+$0x0], $0xffff  }
0x1d4: {  	v63 =	vor.u32 $0xE, v5;
	_ =	sdelay $0x3  }
0x1d5: {  	[tilespmem:s1+$0x19880] =	vst v4  }
0x1d6: {  	v4 =	vld.idx.msk [tilespmem:v63+s2+$0x0], $0xffff  }
0x1d7: {  	v5 =	vor.u32 $0xF, v5;
	_ =	sdelay $0x3  }
0x1d8: {  	[tilespmem:s1+$0x1B080] =	vst v4  }
0x1d9: {  	v4 =	vld.idx.msk [tilespmem:v5+s2+$0x0], $0xffff;
	_ =	sdelay $0x4  }
0x1da: {  	s25 =	simm.s32 $0x3C80;
	[tilespmem:s1+$0x1C880] =	vst v4  }
0x1db: {  	v4 =	vld.idx.msk [tilespmem:v2+s25+$0x0], $0xffff;
	_ =	sdelay $0x4  }
0x1dc: {  	v4 =	vshll.u32 v4, $0x4  }
0x1dd: {  	v4 =	vor.u32 v0, v4;
	_ =	sdelay $0x4  }
0x1de: {  	v4 =	vld.idx.msk [tilespmem:v4+s2+$0x0], $0xffff;
	_ =	sdelay $0x4  }
0x1df: {  	s26 =	simm.s32 $0x6080;
	s1 =	rddreg [dreg:$0x17];
	[tilespmem:v3+s11+$0x0] =	vst.idx.msk $0xffff, v4  }
0x1e0: {  	[hbm4b:s1+s2] =	stream.linear.scatter [tilespmem:s26], [sflag:$0x1], $0xC00, $0x38;
	[tilespmem:$0x1D480] =	vst v63  }
0x1e1: {  	s29 =	simm.s32 $0x7880;
	s28 =	sadd.s32 $0x3180, s1  }
0x1e2: {  	[hbm4b:s28+s2] =	stream.linear.scatter [tilespmem:s29], [sflag:$0x1], $0xC00, $0x38;
	[tilespmem:$0x1D480] =	vst v63  }
0x1e3: {  	s31 =	simm.s32 $0x9080;
	s30 =	sadd.s32 $0x6300, s1  }
0x1e4: {  	[hbm4b:s30+s2] =	stream.linear.scatter [tilespmem:s31], [sflag:$0x1], $0xC00, $0x38;
	[tilespmem:$0x1D480] =	vst v63  }
0x1e5: {  	s4 =	simm.s32 $0xA880;
	s3 =	sadd.s32 $0x9480, s1  }
0x1e6: {  	[hbm4b:s3+s2] =	stream.linear.scatter [tilespmem:s4], [sflag:$0x1], $0xC00, $0x38;
	[tilespmem:$0x1D480] =	vst v63  }
0x1e7: {  	s7 =	simm.s32 $0xC080;
	s6 =	sadd.s32 $0xC600, s1  }
0x1e8: {  	[hbm4b:s6+s2] =	stream.linear.scatter [tilespmem:s7], [sflag:$0x1], $0xC00, $0x38;
	[tilespmem:$0x1D480] =	vst v63  }
0x1e9: {  	s9 =	simm.s32 $0xD880;
	s8 =	sadd.s32 $0xF780, s1  }
0x1ea: {  	[hbm4b:s8+s2] =	stream.linear.scatter [tilespmem:s9], [sflag:$0x1], $0xC00, $0x38;
	[tilespmem:$0x1D480] =	vst v63  }
0x1eb: {  	s12 =	simm.s32 $0xF080;
	s10 =	sadd.s32 $0x12900, s1  }
0x1ec: {  	[hbm4b:s10+s2] =	stream.linear.scatter [tilespmem:s12], [sflag:$0x1], $0xC00, $0x38;
	[tilespmem:$0x1D480] =	vst v63  }
0x1ed: {  	s14 =	simm.s32 $0x10880;
	s13 =	sadd.s32 $0x15A80, s1  }
0x1ee: {  	[hbm4b:s13+s2] =	stream.linear.scatter [tilespmem:s14], [sflag:$0x1], $0xC00, $0x38;
	[tilespmem:$0x1D480] =	vst v63  }
0x1ef: {  	s16 =	simm.s32 $0x12080;
	s15 =	sadd.s32 $0x18C00, s1  }
0x1f0: {  	[hbm4b:s15+s2] =	stream.linear.scatter [tilespmem:s16], [sflag:$0x1], $0xC00, $0x38;
	[tilespmem:$0x1D480] =	vst v63  }
0x1f1: {  	s18 =	simm.s32 $0x13880;
	s17 =	sadd.s32 $0x1BD80, s1  }
0x1f2: {  	[hbm4b:s17+s2] =	stream.linear.scatter [tilespmem:s18], [sflag:$0x1], $0xC00, $0x38;
	[tilespmem:$0x1D480] =	vst v63  }
0x1f3: {  	s20 =	simm.s32 $0x15080;
	s19 =	sadd.s32 $0x1EF00, s1  }
0x1f4: {  	[hbm4b:s19+s2] =	stream.linear.scatter [tilespmem:s20], [sflag:$0x1], $0xC00, $0x38;
	[tilespmem:$0x1D480] =	vst v63  }
0x1f5: {  	s22 =	simm.s32 $0x16880;
	s21 =	sadd.s32 $0x22080, s1  }
0x1f6: {  	[hbm4b:s21+s2] =	stream.linear.scatter [tilespmem:s22], [sflag:$0x1], $0xC00, $0x38;
	[tilespmem:$0x1D480] =	vst v63  }
0x1f7: {  	s24 =	simm.s32 $0x18080;
	s23 =	sadd.s32 $0x25200, s1  }
0x1f8: {  	[hbm4b:s23+s2] =	stream.linear.scatter [tilespmem:s24], [sflag:$0x1], $0xC00, $0x38;
	[tilespmem:$0x1D480] =	vst v63  }
0x1f9: {  	s25 =	sadd.s32 $0x28380, s1;
	s26 =	simm.s32 $0x19880  }
0x1fa: {  	[hbm4b:s25+s2] =	stream.linear.scatter [tilespmem:s26], [sflag:$0x1], $0xC00, $0x38;
	[tilespmem:$0x1D480] =	vst v63  }
0x1fb: {  	s28 =	sadd.s32 $0x2B500, s1;
	s29 =	simm.s32 $0x1B080  }
0x1fc: {  	[hbm4b:s28+s2] =	stream.linear.scatter [tilespmem:s29], [sflag:$0x1], $0xC00, $0x38;
	[tilespmem:$0x1D480] =	vst v63  }
.Ltmp6:
0x1fd: {  	s30 =	sadd.s32 $0x2E680, s1;
	s31 =	simm.s32 $0x1C880;
	(pc) =	sbr.rel .LBB2_9-.Ltmp6, $4  }
0x1fe: {  	[hbm4b:s30+s2] =	stream.linear.scatter [tilespmem:s31], [sflag:$0x1], $0xC00, $0x38;
	[tilespmem:$0x1D480] =	vst v63  }
0x1ff: {  	_ =	swait.ge [sflag:s5], $0xC000  }
0x200: {  	[sflag:s5] =	ssyncset.done $0x0  }
0x201: {  	s1 =	rddreg [dreg:$0x19];
	[sflag:s5] =	ssyncadd.s32 $0xFFFF4000  }
.LBB2_10:
0x202: {  	_ =	sfence.sel $0x180000  }
0x203: {  	[bflag:$0x0] =	sbarrier.arrive $0xFFFF  }
0x204: {  	_ =	strace $0x90000047  }
0x205: {  	s0 =	stileid.u32;
	[bflag:$0x2] =	sbarrier.arrive $0xFFFF  }
0x206: {  	p0 =	sne.s32 s0, $0x0;
	s0 =	rddreg [dreg:$0x3]  }
0x207: {  	s0 =	sadd.s32 @!p0 $0x100000, s0  }
0x208: {  	[sflag:s0] =	ssyncadd.tile.s32 @!p0 $0x1;
	_ =	shalt  }
.Lfunc_end2:
_tile_overlayer_lowered:
.L_overlay_start_2:
0x209: {  	(tag) =	ssettag $0x2  }
0x20a: {  	s0 =	rddreg [dreg:$0x0];
	s2 =	stileid.u32  }
0x20b: {  	s1 =	rddreg [dreg:$0x1];
	p0 =	sne.s32 s2, $0x0  }
0x20c: {  	s3 =	rddreg [dreg:$0x2];
	[bflag:$0x3] =	sbarrier.arrive $0xFFFF;
	s2 =	simm.s32 @!p0 $0x1C01  }
0x20d: {  	[timem:s3], [sflag:s2] =	dma.local @!p0 [hbm:s0], s1  }
0x20e: {  	s0 =	simm.s32 @!p0 $0x1  }
0x20f: {  	_ =	swait.ge @!p0 [sflag:s0], s1  }
0x210: {  	s1 =	ssub.s32 @!p0 $0x0, s1;
	[sflag:s0] =	ssyncset.done @!p0 $0x0  }
0x211: {  	[sflag:s0] =	ssyncadd.s32 @!p0 s1  }
0x212: {  	[bflag:$0x3] =	sbarrier.arrive $0xFFFF  }
0x213: {  	_ =	shalt  }

</sc_bundles>
